<compile_context>
chip_gen: v7x
topology: tpu7x:2x2x1
jax: 0.10.2.dev20260603
libtpu: 0.0.44.dev20260713+nightly
codegen_flags: <defaults>
</compile_context>

<pallas_src>
import functools

import jax
import jax.numpy as jnp
from jax import lax
from jax.experimental import pallas as pl
from jax.experimental.pallas import tpu as pltpu
from jax.experimental.pallas import tpu_sc as plsc

NUM_TOKENS = 32768
NUM_EXPERTS = 64
CAPACITY = 512.0
L = 16
NS = 16
CHUNK = NUM_TOKENS // NS
GROUPS = NUM_EXPERTS // L
UNROLL = 8

_mesh = plsc.VectorSubcoreMesh(
    core_axis_name="c", subcore_axis_name="s", num_cores=1)


def _capacity_loss_body(assign_hbm, out_hbm, vals_v, hist2d_v, hist_v,
                        shared_v, all_v, out_v, in_sem):
    sid = lax.axis_index("s").astype(jnp.int32)

    cp = pltpu.async_copy(
        assign_hbm.at[pl.ds(sid * jnp.int32(CHUNK), CHUNK)], vals_v, in_sem)

    with jax.named_scope("zero"):
        zeros = jnp.zeros((L,), jnp.int32)
        for l in range(L):
            for g in range(GROUPS):
                hist2d_v[l, pl.ds(g * L, L)] = zeros

    lane = lax.iota(jnp.int32, L)
    ones = jnp.ones((L,), jnp.int32)

    with jax.named_scope("dma_wait"):
        cp.wait()

    with jax.named_scope("scatter"):
        def scatter_step(i, carry):
            v = vals_v[pl.ds(i * jnp.int32(L), L)]
            plsc.addupdate_scatter(hist2d_v, [lane, v], ones)
            return carry

        lax.fori_loop(jnp.int32(0), jnp.int32(CHUNK // L), scatter_step,
                      jnp.int32(0))

    with jax.named_scope("fold"):
        for g in range(GROUPS):
            acc = hist2d_v[0, pl.ds(g * L, L)]
            for l in range(1, L):
                acc = acc + hist2d_v[l, pl.ds(g * L, L)]
            hist_v[pl.ds(g * L, L)] = acc

    with jax.named_scope("publish"):
        pltpu.sync_copy(hist_v, shared_v.at[sid])
    with jax.named_scope("barrier"):
        plsc.subcore_barrier()

    @pl.when(sid == 0)
    def _finalize():
        with jax.named_scope("finalize"):
            pltpu.sync_copy(shared_v, all_v)
            total = jnp.zeros((), jnp.float32)
            n_exp = jnp.zeros((), jnp.int32)
            for g in range(GROUPS):
                acc = all_v[0, pl.ds(g * L, L)]
                for t in range(1, NS):
                    acc = acc + all_v[t, pl.ds(g * L, L)]
                cand = jnp.where(acc > 0, lane + jnp.int32(g * L + 1),
                                 jnp.int32(0))
                n_exp = jnp.maximum(n_exp, jnp.max(cand))
                over = jnp.maximum(acc.astype(jnp.float32) - CAPACITY, 0.0)
                total = total + jnp.sum(over * over)
            loss = (jnp.full((L,), total)
                    / jnp.full((L,), n_exp).astype(jnp.float32))
            out_v[...] = loss
            pltpu.sync_copy(out_v, out_hbm)


_SCRATCH_TYPES = [
    pltpu.VMEM((CHUNK,), jnp.int32),
    pltpu.VMEM((L, NUM_EXPERTS), jnp.int32),
    pltpu.VMEM((NUM_EXPERTS,), jnp.int32),
    pltpu.VMEM_SHARED((NS, NUM_EXPERTS), jnp.int32),
    pltpu.VMEM((NS, NUM_EXPERTS), jnp.int32),
    pltpu.VMEM((L,), jnp.float32),
    pltpu.SemaphoreType.DMA,
]

_capacity_loss = pl.kernel(
    _capacity_loss_body,
    mesh=_mesh,
    out_type=jax.ShapeDtypeStruct((L,), jnp.float32),
    scratch_types=_SCRATCH_TYPES,
    compiler_params=pltpu.CompilerParams(needs_layout_passes=False),
)


def kernel(expert_assignments):
    a = expert_assignments.astype(jnp.int32)
    return _capacity_loss(a)[0]

# --- scband reference (transcript-rebuilt; emitter-appended) ---
"""Pipeline reference for scband-capacity-loss-42021960024679 (READ-ONLY COPY).

The authoritative reference and input builder live on the scoring server;
editing this copy changes nothing except your own understanding.
"""

import jax
jax.config.update('jax_enable_x64', True)
import jax.numpy as jnp
import numpy as np

CAPACITY = 512
NUM_TOKENS = 32768
NUM_EXPERTS = 64


def setup_inputs(seed: int = 0) -> dict:
    key = jax.random.key(seed)
    expert_assignments = jax.random.randint(key, (NUM_TOKENS,), 0, NUM_EXPERTS, dtype=jnp.int64)
    return {"expert_assignments": expert_assignments}


def reference(expert_assignments) -> jnp.ndarray:
    # num_experts inferred from data, matching `expert_assignments.max().item() + 1`
    num_experts = jnp.max(expert_assignments) + 1
    # load_per_expert[e] = (expert_assignments == e).sum()  == bincount
    load_per_expert = jnp.bincount(expert_assignments, length=NUM_EXPERTS).astype(jnp.float32)
    overload = jnp.maximum(load_per_expert - float(CAPACITY), 0.0)
    capacity_loss = jnp.sum(overload ** 2) / num_experts.astype(jnp.float32)
    return capacity_loss

if __name__ == "__main__":
    import jax
    _d = setup_inputs()
    print(jax.jit(kernel)(*tuple(_d.values())))

</pallas_src>

<mosaic_0001>
#map = affine_map<(d0, d1) -> (0)>
module attributes {stable_mosaic.version = 14 : i64} {
  func.func @_capacity_loss_body(%arg0: i32, %arg1: i32, %arg2: memref<32768xi32, #tpu.memory_space<hbm>>, %arg3: memref<16xf32, #tpu.memory_space<hbm>>, %arg4: memref<2048xi32, #tpu.memory_space<vmem>>, %arg5: memref<16x64xi32, #tpu.memory_space<vmem>>, %arg6: memref<64xi32, #tpu.memory_space<vmem>>, %arg7: memref<16x64xi32, #tpu.memory_space<vmem_shared>>, %arg8: memref<16x64xi32, #tpu.memory_space<vmem>>, %arg9: memref<16xf32, #tpu.memory_space<vmem>>, %arg10: memref<!tpu.dma_semaphore, #tpu.memory_space<semaphore_mem>>) attributes {dimension_semantics = [#tpu.dimension_semantics<core_parallel>, #tpu.dimension_semantics<subcore_parallel>], iteration_bounds = array<i64: 1, 16>, scalar_prefetch = 0 : i64, scratch_operands = 7 : i64, tpu.core_type = #tpu.core_type<sc_vector_subcore>, window_params = [{transform_indices = #map}, {transform_indices = #map}]} {
    %mul3A = arith.constant 2048 : i32
    %mul3A_0 = arith.muli %arg1, %mul3A : i32
    %dma_start3A = tpu.memref_slice %arg2[%mul3A_0] : memref<32768xi32, #tpu.memory_space<hbm>> -> memref<2048xi32, #tpu.memory_space<hbm>>
    %dma_start3A_1 = tpu.memref_slice %arg2[%mul3A_0] : memref<32768xi32, #tpu.memory_space<hbm>> -> memref<2048xi32, #tpu.memory_space<hbm>>
    tpu.enqueue_dma source(%dma_start3A_1 : memref<2048xi32, #tpu.memory_space<hbm>>) target(%arg4 : memref<2048xi32, #tpu.memory_space<vmem>>) target_semaphore(%arg10 : memref<!tpu.dma_semaphore, #tpu.memory_space<semaphore_mem>>)
    %broadcast_in_dim3A = arith.constant 0 : i32
    "tpu.trace_start"() <{level = 10 : i32, message = "zero"}> : () -> ()
    %broadcast_in_dim3A_2 = vector.broadcast %broadcast_in_dim3A : i32 to vector<16xi32>
    %swap3A = arith.constant 0 : i64
    %swap3A_3 = arith.index_cast %swap3A : i64 to index
    %swap3A_4 = arith.constant 0 : index
    %swap3A_5 = tpu.vector_load %arg5[%swap3A_3, %swap3A_4] {strides = array<i32>} : memref<16x64xi32, #tpu.memory_space<vmem>>, vector<16xi32>,
    tpu.vector_store %arg5[%swap3A_3, %swap3A_4], %broadcast_in_dim3A_2 {strides = array<i32>} : memref<16x64xi32, #tpu.memory_space<vmem>>, vector<16xi32>,
    %swap3A_6 = arith.constant 0 : i64
    %swap3A_7 = arith.index_cast %swap3A_6 : i64 to index
    %swap3A_8 = arith.constant 16 : index
    %swap3A_9 = tpu.vector_load %arg5[%swap3A_7, %swap3A_8] {strides = array<i32>} : memref<16x64xi32, #tpu.memory_space<vmem>>, vector<16xi32>,
    tpu.vector_store %arg5[%swap3A_7, %swap3A_8], %broadcast_in_dim3A_2 {strides = array<i32>} : memref<16x64xi32, #tpu.memory_space<vmem>>, vector<16xi32>,
    %swap3A_10 = arith.constant 0 : i64
    %swap3A_11 = arith.index_cast %swap3A_10 : i64 to index
    %swap3A_12 = arith.constant 32 : index
    %swap3A_13 = tpu.vector_load %arg5[%swap3A_11, %swap3A_12] {strides = array<i32>} : memref<16x64xi32, #tpu.memory_space<vmem>>, vector<16xi32>,
    tpu.vector_store %arg5[%swap3A_11, %swap3A_12], %broadcast_in_dim3A_2 {strides = array<i32>} : memref<16x64xi32, #tpu.memory_space<vmem>>, vector<16xi32>,
    %swap3A_14 = arith.constant 0 : i64
    %swap3A_15 = arith.index_cast %swap3A_14 : i64 to index
    %swap3A_16 = arith.constant 48 : index
    %swap3A_17 = tpu.vector_load %arg5[%swap3A_15, %swap3A_16] {strides = array<i32>} : memref<16x64xi32, #tpu.memory_space<vmem>>, vector<16xi32>,
    tpu.vector_store %arg5[%swap3A_15, %swap3A_16], %broadcast_in_dim3A_2 {strides = array<i32>} : memref<16x64xi32, #tpu.memory_space<vmem>>, vector<16xi32>,
    %swap3A_18 = arith.constant 1 : i64
    %swap3A_19 = arith.index_cast %swap3A_18 : i64 to index
    %swap3A_20 = arith.constant 0 : index
    %swap3A_21 = tpu.vector_load %arg5[%swap3A_19, %swap3A_20] {strides = array<i32>} : memref<16x64xi32, #tpu.memory_space<vmem>>, vector<16xi32>,
    tpu.vector_store %arg5[%swap3A_19, %swap3A_20], %broadcast_in_dim3A_2 {strides = array<i32>} : memref<16x64xi32, #tpu.memory_space<vmem>>, vector<16xi32>,
    %swap3A_22 = arith.constant 1 : i64
    %swap3A_23 = arith.index_cast %swap3A_22 : i64 to index
    %swap3A_24 = arith.constant 16 : index
    %swap3A_25 = tpu.vector_load %arg5[%swap3A_23, %swap3A_24] {strides = array<i32>} : memref<16x64xi32, #tpu.memory_space<vmem>>, vector<16xi32>,
    tpu.vector_store %arg5[%swap3A_23, %swap3A_24], %broadcast_in_dim3A_2 {strides = array<i32>} : memref<16x64xi32, #tpu.memory_space<vmem>>, vector<16xi32>,
    %swap3A_26 = arith.constant 1 : i64
    %swap3A_27 = arith.index_cast %swap3A_26 : i64 to index
    %swap3A_28 = arith.constant 32 : index
    %swap3A_29 = tpu.vector_load %arg5[%swap3A_27, %swap3A_28] {strides = array<i32>} : memref<16x64xi32, #tpu.memory_space<vmem>>, vector<16xi32>,
    tpu.vector_store %arg5[%swap3A_27, %swap3A_28], %broadcast_in_dim3A_2 {strides = array<i32>} : memref<16x64xi32, #tpu.memory_space<vmem>>, vector<16xi32>,
    %swap3A_30 = arith.constant 1 : i64
    %swap3A_31 = arith.index_cast %swap3A_30 : i64 to index
    %swap3A_32 = arith.constant 48 : index
    %swap3A_33 = tpu.vector_load %arg5[%swap3A_31, %swap3A_32] {strides = array<i32>} : memref<16x64xi32, #tpu.memory_space<vmem>>, vector<16xi32>,
    tpu.vector_store %arg5[%swap3A_31, %swap3A_32], %broadcast_in_dim3A_2 {strides = array<i32>} : memref<16x64xi32, #tpu.memory_space<vmem>>, vector<16xi32>,
    %swap3A_34 = arith.constant 2 : i64
    %swap3A_35 = arith.index_cast %swap3A_34 : i64 to index
    %swap3A_36 = arith.constant 0 : index
    %swap3A_37 = tpu.vector_load %arg5[%swap3A_35, %swap3A_36] {strides = array<i32>} : memref<16x64xi32, #tpu.memory_space<vmem>>, vector<16xi32>,
    tpu.vector_store %arg5[%swap3A_35, %swap3A_36], %broadcast_in_dim3A_2 {strides = array<i32>} : memref<16x64xi32, #tpu.memory_space<vmem>>, vector<16xi32>,
    %swap3A_38 = arith.constant 2 : i64
    %swap3A_39 = arith.index_cast %swap3A_38 : i64 to index
    %swap3A_40 = arith.constant 16 : index
    %swap3A_41 = tpu.vector_load %arg5[%swap3A_39, %swap3A_40] {strides = array<i32>} : memref<16x64xi32, #tpu.memory_space<vmem>>, vector<16xi32>,
    tpu.vector_store %arg5[%swap3A_39, %swap3A_40], %broadcast_in_dim3A_2 {strides = array<i32>} : memref<16x64xi32, #tpu.memory_space<vmem>>, vector<16xi32>,
    %swap3A_42 = arith.constant 2 : i64
    %swap3A_43 = arith.index_cast %swap3A_42 : i64 to index
    %swap3A_44 = arith.constant 32 : index
    %swap3A_45 = tpu.vector_load %arg5[%swap3A_43, %swap3A_44] {strides = array<i32>} : memref<16x64xi32, #tpu.memory_space<vmem>>, vector<16xi32>,
    tpu.vector_store %arg5[%swap3A_43, %swap3A_44], %broadcast_in_dim3A_2 {strides = array<i32>} : memref<16x64xi32, #tpu.memory_space<vmem>>, vector<16xi32>,
    %swap3A_46 = arith.constant 2 : i64
    %swap3A_47 = arith.index_cast %swap3A_46 : i64 to index
    %swap3A_48 = arith.constant 48 : index
    %swap3A_49 = tpu.vector_load %arg5[%swap3A_47, %swap3A_48] {strides = array<i32>} : memref<16x64xi32, #tpu.memory_space<vmem>>, vector<16xi32>,
    tpu.vector_store %arg5[%swap3A_47, %swap3A_48], %broadcast_in_dim3A_2 {strides = array<i32>} : memref<16x64xi32, #tpu.memory_space<vmem>>, vector<16xi32>,
    %swap3A_50 = arith.constant 3 : i64
    %swap3A_51 = arith.index_cast %swap3A_50 : i64 to index
    %swap3A_52 = arith.constant 0 : index
    %swap3A_53 = tpu.vector_load %arg5[%swap3A_51, %swap3A_52] {strides = array<i32>} : memref<16x64xi32, #tpu.memory_space<vmem>>, vector<16xi32>,
    tpu.vector_store %arg5[%swap3A_51, %swap3A_52], %broadcast_in_dim3A_2 {strides = array<i32>} : memref<16x64xi32, #tpu.memory_space<vmem>>, vector<16xi32>,
    %swap3A_54 = arith.constant 3 : i64
    %swap3A_55 = arith.index_cast %swap3A_54 : i64 to index
    %swap3A_56 = arith.constant 16 : index
    %swap3A_57 = tpu.vector_load %arg5[%swap3A_55, %swap3A_56] {strides = array<i32>} : memref<16x64xi32, #tpu.memory_space<vmem>>, vector<16xi32>,
    tpu.vector_store %arg5[%swap3A_55, %swap3A_56], %broadcast_in_dim3A_2 {strides = array<i32>} : memref<16x64xi32, #tpu.memory_space<vmem>>, vector<16xi32>,
    %swap3A_58 = arith.constant 3 : i64
    %swap3A_59 = arith.index_cast %swap3A_58 : i64 to index
    %swap3A_60 = arith.constant 32 : index
    %swap3A_61 = tpu.vector_load %arg5[%swap3A_59, %swap3A_60] {strides = array<i32>} : memref<16x64xi32, #tpu.memory_space<vmem>>, vector<16xi32>,
    tpu.vector_store %arg5[%swap3A_59, %swap3A_60], %broadcast_in_dim3A_2 {strides = array<i32>} : memref<16x64xi32, #tpu.memory_space<vmem>>, vector<16xi32>,
    %swap3A_62 = arith.constant 3 : i64
    %swap3A_63 = arith.index_cast %swap3A_62 : i64 to index
    %swap3A_64 = arith.constant 48 : index
    %swap3A_65 = tpu.vector_load %arg5[%swap3A_63, %swap3A_64] {strides = array<i32>} : memref<16x64xi32, #tpu.memory_space<vmem>>, vector<16xi32>,
    tpu.vector_store %arg5[%swap3A_63, %swap3A_64], %broadcast_in_dim3A_2 {strides = array<i32>} : memref<16x64xi32, #tpu.memory_space<vmem>>, vector<16xi32>,
    %swap3A_66 = arith.constant 4 : i64
    %swap3A_67 = arith.index_cast %swap3A_66 : i64 to index
    %swap3A_68 = arith.constant 0 : index
    %swap3A_69 = tpu.vector_load %arg5[%swap3A_67, %swap3A_68] {strides = array<i32>} : memref<16x64xi32, #tpu.memory_space<vmem>>, vector<16xi32>,
    tpu.vector_store %arg5[%swap3A_67, %swap3A_68], %broadcast_in_dim3A_2 {strides = array<i32>} : memref<16x64xi32, #tpu.memory_space<vmem>>, vector<16xi32>,
    %swap3A_70 = arith.constant 4 : i64
    %swap3A_71 = arith.index_cast %swap3A_70 : i64 to index
    %swap3A_72 = arith.constant 16 : index
    %swap3A_73 = tpu.vector_load %arg5[%swap3A_71, %swap3A_72] {strides = array<i32>} : memref<16x64xi32, #tpu.memory_space<vmem>>, vector<16xi32>,
    tpu.vector_store %arg5[%swap3A_71, %swap3A_72], %broadcast_in_dim3A_2 {strides = array<i32>} : memref<16x64xi32, #tpu.memory_space<vmem>>, vector<16xi32>,
    %swap3A_74 = arith.constant 4 : i64
    %swap3A_75 = arith.index_cast %swap3A_74 : i64 to index
    %swap3A_76 = arith.constant 32 : index
    %swap3A_77 = tpu.vector_load %arg5[%swap3A_75, %swap3A_76] {strides = array<i32>} : memref<16x64xi32, #tpu.memory_space<vmem>>, vector<16xi32>,
    tpu.vector_store %arg5[%swap3A_75, %swap3A_76], %broadcast_in_dim3A_2 {strides = array<i32>} : memref<16x64xi32, #tpu.memory_space<vmem>>, vector<16xi32>,
    %swap3A_78 = arith.constant 4 : i64
    %swap3A_79 = arith.index_cast %swap3A_78 : i64 to index
    %swap3A_80 = arith.constant 48 : index
    %swap3A_81 = tpu.vector_load %arg5[%swap3A_79, %swap3A_80] {strides = array<i32>} : memref<16x64xi32, #tpu.memory_space<vmem>>, vector<16xi32>,
    tpu.vector_store %arg5[%swap3A_79, %swap3A_80], %broadcast_in_dim3A_2 {strides = array<i32>} : memref<16x64xi32, #tpu.memory_space<vmem>>, vector<16xi32>,
    %swap3A_82 = arith.constant 5 : i64
    %swap3A_83 = arith.index_cast %swap3A_82 : i64 to index
    %swap3A_84 = arith.constant 0 : index
    %swap3A_85 = tpu.vector_load %arg5[%swap3A_83, %swap3A_84] {strides = array<i32>} : memref<16x64xi32, #tpu.memory_space<vmem>>, vector<16xi32>,
    tpu.vector_store %arg5[%swap3A_83, %swap3A_84], %broadcast_in_dim3A_2 {strides = array<i32>} : memref<16x64xi32, #tpu.memory_space<vmem>>, vector<16xi32>,
    %swap3A_86 = arith.constant 5 : i64
    %swap3A_87 = arith.index_cast %swap3A_86 : i64 to index
    %swap3A_88 = arith.constant 16 : index
    %swap3A_89 = tpu.vector_load %arg5[%swap3A_87, %swap3A_88] {strides = array<i32>} : memref<16x64xi32, #tpu.memory_space<vmem>>, vector<16xi32>,
    tpu.vector_store %arg5[%swap3A_87, %swap3A_88], %broadcast_in_dim3A_2 {strides = array<i32>} : memref<16x64xi32, #tpu.memory_space<vmem>>, vector<16xi32>,
    %swap3A_90 = arith.constant 5 : i64
    %swap3A_91 = arith.index_cast %swap3A_90 : i64 to index
    %swap3A_92 = arith.constant 32 : index
    %swap3A_93 = tpu.vector_load %arg5[%swap3A_91, %swap3A_92] {strides = array<i32>} : memref<16x64xi32, #tpu.memory_space<vmem>>, vector<16xi32>,
    tpu.vector_store %arg5[%swap3A_91, %swap3A_92], %broadcast_in_dim3A_2 {strides = array<i32>} : memref<16x64xi32, #tpu.memory_space<vmem>>, vector<16xi32>,
    %swap3A_94 = arith.constant 5 : i64
    %swap3A_95 = arith.index_cast %swap3A_94 : i64 to index
    %swap3A_96 = arith.constant 48 : index
    %swap3A_97 = tpu.vector_load %arg5[%swap3A_95, %swap3A_96] {strides = array<i32>} : memref<16x64xi32, #tpu.memory_space<vmem>>, vector<16xi32>,
    tpu.vector_store %arg5[%swap3A_95, %swap3A_96], %broadcast_in_dim3A_2 {strides = array<i32>} : memref<16x64xi32, #tpu.memory_space<vmem>>, vector<16xi32>,
    %swap3A_98 = arith.constant 6 : i64
    %swap3A_99 = arith.index_cast %swap3A_98 : i64 to index
    %swap3A_100 = arith.constant 0 : index
    %swap3A_101 = tpu.vector_load %arg5[%swap3A_99, %swap3A_100] {strides = array<i32>} : memref<16x64xi32, #tpu.memory_space<vmem>>, vector<16xi32>,
    tpu.vector_store %arg5[%swap3A_99, %swap3A_100], %broadcast_in_dim3A_2 {strides = array<i32>} : memref<16x64xi32, #tpu.memory_space<vmem>>, vector<16xi32>,
    %swap3A_102 = arith.constant 6 : i64
    %swap3A_103 = arith.index_cast %swap3A_102 : i64 to index
    %swap3A_104 = arith.constant 16 : index
    %swap3A_105 = tpu.vector_load %arg5[%swap3A_103, %swap3A_104] {strides = array<i32>} : memref<16x64xi32, #tpu.memory_space<vmem>>, vector<16xi32>,
    tpu.vector_store %arg5[%swap3A_103, %swap3A_104], %broadcast_in_dim3A_2 {strides = array<i32>} : memref<16x64xi32, #tpu.memory_space<vmem>>, vector<16xi32>,
    %swap3A_106 = arith.constant 6 : i64
    %swap3A_107 = arith.index_cast %swap3A_106 : i64 to index
    %swap3A_108 = arith.constant 32 : index
    %swap3A_109 = tpu.vector_load %arg5[%swap3A_107, %swap3A_108] {strides = array<i32>} : memref<16x64xi32, #tpu.memory_space<vmem>>, vector<16xi32>,
    tpu.vector_store %arg5[%swap3A_107, %swap3A_108], %broadcast_in_dim3A_2 {strides = array<i32>} : memref<16x64xi32, #tpu.memory_space<vmem>>, vector<16xi32>,
    %swap3A_110 = arith.constant 6 : i64
    %swap3A_111 = arith.index_cast %swap3A_110 : i64 to index
    %swap3A_112 = arith.constant 48 : index
    %swap3A_113 = tpu.vector_load %arg5[%swap3A_111, %swap3A_112] {strides = array<i32>} : memref<16x64xi32, #tpu.memory_space<vmem>>, vector<16xi32>,
    tpu.vector_store %arg5[%swap3A_111, %swap3A_112], %broadcast_in_dim3A_2 {strides = array<i32>} : memref<16x64xi32, #tpu.memory_space<vmem>>, vector<16xi32>,
    %swap3A_114 = arith.constant 7 : i64
    %swap3A_115 = arith.index_cast %swap3A_114 : i64 to index
    %swap3A_116 = arith.constant 0 : index
    %swap3A_117 = tpu.vector_load %arg5[%swap3A_115, %swap3A_116] {strides = array<i32>} : memref<16x64xi32, #tpu.memory_space<vmem>>, vector<16xi32>,
    tpu.vector_store %arg5[%swap3A_115, %swap3A_116], %broadcast_in_dim3A_2 {strides = array<i32>} : memref<16x64xi32, #tpu.memory_space<vmem>>, vector<16xi32>,
    %swap3A_118 = arith.constant 7 : i64
    %swap3A_119 = arith.index_cast %swap3A_118 : i64 to index
    %swap3A_120 = arith.constant 16 : index
    %swap3A_121 = tpu.vector_load %arg5[%swap3A_119, %swap3A_120] {strides = array<i32>} : memref<16x64xi32, #tpu.memory_space<vmem>>, vector<16xi32>,
    tpu.vector_store %arg5[%swap3A_119, %swap3A_120], %broadcast_in_dim3A_2 {strides = array<i32>} : memref<16x64xi32, #tpu.memory_space<vmem>>, vector<16xi32>,
    %swap3A_122 = arith.constant 7 : i64
    %swap3A_123 = arith.index_cast %swap3A_122 : i64 to index
    %swap3A_124 = arith.constant 32 : index
    %swap3A_125 = tpu.vector_load %arg5[%swap3A_123, %swap3A_124] {strides = array<i32>} : memref<16x64xi32, #tpu.memory_space<vmem>>, vector<16xi32>,
    tpu.vector_store %arg5[%swap3A_123, %swap3A_124], %broadcast_in_dim3A_2 {strides = array<i32>} : memref<16x64xi32, #tpu.memory_space<vmem>>, vector<16xi32>,
    %swap3A_126 = arith.constant 7 : i64
    %swap3A_127 = arith.index_cast %swap3A_126 : i64 to index
    %swap3A_128 = arith.constant 48 : index
    %swap3A_129 = tpu.vector_load %arg5[%swap3A_127, %swap3A_128] {strides = array<i32>} : memref<16x64xi32, #tpu.memory_space<vmem>>, vector<16xi32>,
    tpu.vector_store %arg5[%swap3A_127, %swap3A_128], %broadcast_in_dim3A_2 {strides = array<i32>} : memref<16x64xi32, #tpu.memory_space<vmem>>, vector<16xi32>,
    %swap3A_130 = arith.constant 8 : i64
    %swap3A_131 = arith.index_cast %swap3A_130 : i64 to index
    %swap3A_132 = arith.constant 0 : index
    %swap3A_133 = tpu.vector_load %arg5[%swap3A_131, %swap3A_132] {strides = array<i32>} : memref<16x64xi32, #tpu.memory_space<vmem>>, vector<16xi32>,
    tpu.vector_store %arg5[%swap3A_131, %swap3A_132], %broadcast_in_dim3A_2 {strides = array<i32>} : memref<16x64xi32, #tpu.memory_space<vmem>>, vector<16xi32>,
    %swap3A_134 = arith.constant 8 : i64
    %swap3A_135 = arith.index_cast %swap3A_134 : i64 to index
    %swap3A_136 = arith.constant 16 : index
    %swap3A_137 = tpu.vector_load %arg5[%swap3A_135, %swap3A_136] {strides = array<i32>} : memref<16x64xi32, #tpu.memory_space<vmem>>, vector<16xi32>,
    tpu.vector_store %arg5[%swap3A_135, %swap3A_136], %broadcast_in_dim3A_2 {strides = array<i32>} : memref<16x64xi32, #tpu.memory_space<vmem>>, vector<16xi32>,
    %swap3A_138 = arith.constant 8 : i64
    %swap3A_139 = arith.index_cast %swap3A_138 : i64 to index
    %swap3A_140 = arith.constant 32 : index
    %swap3A_141 = tpu.vector_load %arg5[%swap3A_139, %swap3A_140] {strides = array<i32>} : memref<16x64xi32, #tpu.memory_space<vmem>>, vector<16xi32>,
    tpu.vector_store %arg5[%swap3A_139, %swap3A_140], %broadcast_in_dim3A_2 {strides = array<i32>} : memref<16x64xi32, #tpu.memory_space<vmem>>, vector<16xi32>,
    %swap3A_142 = arith.constant 8 : i64
    %swap3A_143 = arith.index_cast %swap3A_142 : i64 to index
    %swap3A_144 = arith.constant 48 : index
    %swap3A_145 = tpu.vector_load %arg5[%swap3A_143, %swap3A_144] {strides = array<i32>} : memref<16x64xi32, #tpu.memory_space<vmem>>, vector<16xi32>,
    tpu.vector_store %arg5[%swap3A_143, %swap3A_144], %broadcast_in_dim3A_2 {strides = array<i32>} : memref<16x64xi32, #tpu.memory_space<vmem>>, vector<16xi32>,
    %swap3A_146 = arith.constant 9 : i64
    %swap3A_147 = arith.index_cast %swap3A_146 : i64 to index
    %swap3A_148 = arith.constant 0 : index
    %swap3A_149 = tpu.vector_load %arg5[%swap3A_147, %swap3A_148] {strides = array<i32>} : memref<16x64xi32, #tpu.memory_space<vmem>>, vector<16xi32>,
    tpu.vector_store %arg5[%swap3A_147, %swap3A_148], %broadcast_in_dim3A_2 {strides = array<i32>} : memref<16x64xi32, #tpu.memory_space<vmem>>, vector<16xi32>,
    %swap3A_150 = arith.constant 9 : i64
    %swap3A_151 = arith.index_cast %swap3A_150 : i64 to index
    %swap3A_152 = arith.constant 16 : index
    %swap3A_153 = tpu.vector_load %arg5[%swap3A_151, %swap3A_152] {strides = array<i32>} : memref<16x64xi32, #tpu.memory_space<vmem>>, vector<16xi32>,
    tpu.vector_store %arg5[%swap3A_151, %swap3A_152], %broadcast_in_dim3A_2 {strides = array<i32>} : memref<16x64xi32, #tpu.memory_space<vmem>>, vector<16xi32>,
    %swap3A_154 = arith.constant 9 : i64
    %swap3A_155 = arith.index_cast %swap3A_154 : i64 to index
    %swap3A_156 = arith.constant 32 : index
    %swap3A_157 = tpu.vector_load %arg5[%swap3A_155, %swap3A_156] {strides = array<i32>} : memref<16x64xi32, #tpu.memory_space<vmem>>, vector<16xi32>,
    tpu.vector_store %arg5[%swap3A_155, %swap3A_156], %broadcast_in_dim3A_2 {strides = array<i32>} : memref<16x64xi32, #tpu.memory_space<vmem>>, vector<16xi32>,
    %swap3A_158 = arith.constant 9 : i64
    %swap3A_159 = arith.index_cast %swap3A_158 : i64 to index
    %swap3A_160 = arith.constant 48 : index
    %swap3A_161 = tpu.vector_load %arg5[%swap3A_159, %swap3A_160] {strides = array<i32>} : memref<16x64xi32, #tpu.memory_space<vmem>>, vector<16xi32>,
    tpu.vector_store %arg5[%swap3A_159, %swap3A_160], %broadcast_in_dim3A_2 {strides = array<i32>} : memref<16x64xi32, #tpu.memory_space<vmem>>, vector<16xi32>,
    %swap3A_162 = arith.constant 10 : i64
    %swap3A_163 = arith.index_cast %swap3A_162 : i64 to index
    %swap3A_164 = arith.constant 0 : index
    %swap3A_165 = tpu.vector_load %arg5[%swap3A_163, %swap3A_164] {strides = array<i32>} : memref<16x64xi32, #tpu.memory_space<vmem>>, vector<16xi32>,
    tpu.vector_store %arg5[%swap3A_163, %swap3A_164], %broadcast_in_dim3A_2 {strides = array<i32>} : memref<16x64xi32, #tpu.memory_space<vmem>>, vector<16xi32>,
    %swap3A_166 = arith.constant 10 : i64
    %swap3A_167 = arith.index_cast %swap3A_166 : i64 to index
    %swap3A_168 = arith.constant 16 : index
    %swap3A_169 = tpu.vector_load %arg5[%swap3A_167, %swap3A_168] {strides = array<i32>} : memref<16x64xi32, #tpu.memory_space<vmem>>, vector<16xi32>,
    tpu.vector_store %arg5[%swap3A_167, %swap3A_168], %broadcast_in_dim3A_2 {strides = array<i32>} : memref<16x64xi32, #tpu.memory_space<vmem>>, vector<16xi32>,
    %swap3A_170 = arith.constant 10 : i64
    %swap3A_171 = arith.index_cast %swap3A_170 : i64 to index
    %swap3A_172 = arith.constant 32 : index
    %swap3A_173 = tpu.vector_load %arg5[%swap3A_171, %swap3A_172] {strides = array<i32>} : memref<16x64xi32, #tpu.memory_space<vmem>>, vector<16xi32>,
    tpu.vector_store %arg5[%swap3A_171, %swap3A_172], %broadcast_in_dim3A_2 {strides = array<i32>} : memref<16x64xi32, #tpu.memory_space<vmem>>, vector<16xi32>,
    %swap3A_174 = arith.constant 10 : i64
    %swap3A_175 = arith.index_cast %swap3A_174 : i64 to index
    %swap3A_176 = arith.constant 48 : index
    %swap3A_177 = tpu.vector_load %arg5[%swap3A_175, %swap3A_176] {strides = array<i32>} : memref<16x64xi32, #tpu.memory_space<vmem>>, vector<16xi32>,
    tpu.vector_store %arg5[%swap3A_175, %swap3A_176], %broadcast_in_dim3A_2 {strides = array<i32>} : memref<16x64xi32, #tpu.memory_space<vmem>>, vector<16xi32>,
    %swap3A_178 = arith.constant 11 : i64
    %swap3A_179 = arith.index_cast %swap3A_178 : i64 to index
    %swap3A_180 = arith.constant 0 : index
    %swap3A_181 = tpu.vector_load %arg5[%swap3A_179, %swap3A_180] {strides = array<i32>} : memref<16x64xi32, #tpu.memory_space<vmem>>, vector<16xi32>,
    tpu.vector_store %arg5[%swap3A_179, %swap3A_180], %broadcast_in_dim3A_2 {strides = array<i32>} : memref<16x64xi32, #tpu.memory_space<vmem>>, vector<16xi32>,
    %swap3A_182 = arith.constant 11 : i64
    %swap3A_183 = arith.index_cast %swap3A_182 : i64 to index
    %swap3A_184 = arith.constant 16 : index
    %swap3A_185 = tpu.vector_load %arg5[%swap3A_183, %swap3A_184] {strides = array<i32>} : memref<16x64xi32, #tpu.memory_space<vmem>>, vector<16xi32>,
    tpu.vector_store %arg5[%swap3A_183, %swap3A_184], %broadcast_in_dim3A_2 {strides = array<i32>} : memref<16x64xi32, #tpu.memory_space<vmem>>, vector<16xi32>,
    %swap3A_186 = arith.constant 11 : i64
    %swap3A_187 = arith.index_cast %swap3A_186 : i64 to index
    %swap3A_188 = arith.constant 32 : index
    %swap3A_189 = tpu.vector_load %arg5[%swap3A_187, %swap3A_188] {strides = array<i32>} : memref<16x64xi32, #tpu.memory_space<vmem>>, vector<16xi32>,
    tpu.vector_store %arg5[%swap3A_187, %swap3A_188], %broadcast_in_dim3A_2 {strides = array<i32>} : memref<16x64xi32, #tpu.memory_space<vmem>>, vector<16xi32>,
    %swap3A_190 = arith.constant 11 : i64
    %swap3A_191 = arith.index_cast %swap3A_190 : i64 to index
    %swap3A_192 = arith.constant 48 : index
    %swap3A_193 = tpu.vector_load %arg5[%swap3A_191, %swap3A_192] {strides = array<i32>} : memref<16x64xi32, #tpu.memory_space<vmem>>, vector<16xi32>,
    tpu.vector_store %arg5[%swap3A_191, %swap3A_192], %broadcast_in_dim3A_2 {strides = array<i32>} : memref<16x64xi32, #tpu.memory_space<vmem>>, vector<16xi32>,
    %swap3A_194 = arith.constant 12 : i64
    %swap3A_195 = arith.index_cast %swap3A_194 : i64 to index
    %swap3A_196 = arith.constant 0 : index
    %swap3A_197 = tpu.vector_load %arg5[%swap3A_195, %swap3A_196] {strides = array<i32>} : memref<16x64xi32, #tpu.memory_space<vmem>>, vector<16xi32>,
    tpu.vector_store %arg5[%swap3A_195, %swap3A_196], %broadcast_in_dim3A_2 {strides = array<i32>} : memref<16x64xi32, #tpu.memory_space<vmem>>, vector<16xi32>,
    %swap3A_198 = arith.constant 12 : i64
    %swap3A_199 = arith.index_cast %swap3A_198 : i64 to index
    %swap3A_200 = arith.constant 16 : index
    %swap3A_201 = tpu.vector_load %arg5[%swap3A_199, %swap3A_200] {strides = array<i32>} : memref<16x64xi32, #tpu.memory_space<vmem>>, vector<16xi32>,
    tpu.vector_store %arg5[%swap3A_199, %swap3A_200], %broadcast_in_dim3A_2 {strides = array<i32>} : memref<16x64xi32, #tpu.memory_space<vmem>>, vector<16xi32>,
    %swap3A_202 = arith.constant 12 : i64
    %swap3A_203 = arith.index_cast %swap3A_202 : i64 to index
    %swap3A_204 = arith.constant 32 : index
    %swap3A_205 = tpu.vector_load %arg5[%swap3A_203, %swap3A_204] {strides = array<i32>} : memref<16x64xi32, #tpu.memory_space<vmem>>, vector<16xi32>,
    tpu.vector_store %arg5[%swap3A_203, %swap3A_204], %broadcast_in_dim3A_2 {strides = array<i32>} : memref<16x64xi32, #tpu.memory_space<vmem>>, vector<16xi32>,
    %swap3A_206 = arith.constant 12 : i64
    %swap3A_207 = arith.index_cast %swap3A_206 : i64 to index
    %swap3A_208 = arith.constant 48 : index
    %swap3A_209 = tpu.vector_load %arg5[%swap3A_207, %swap3A_208] {strides = array<i32>} : memref<16x64xi32, #tpu.memory_space<vmem>>, vector<16xi32>,
    tpu.vector_store %arg5[%swap3A_207, %swap3A_208], %broadcast_in_dim3A_2 {strides = array<i32>} : memref<16x64xi32, #tpu.memory_space<vmem>>, vector<16xi32>,
    %swap3A_210 = arith.constant 13 : i64
    %swap3A_211 = arith.index_cast %swap3A_210 : i64 to index
    %swap3A_212 = arith.constant 0 : index
    %swap3A_213 = tpu.vector_load %arg5[%swap3A_211, %swap3A_212] {strides = array<i32>} : memref<16x64xi32, #tpu.memory_space<vmem>>, vector<16xi32>,
    tpu.vector_store %arg5[%swap3A_211, %swap3A_212], %broadcast_in_dim3A_2 {strides = array<i32>} : memref<16x64xi32, #tpu.memory_space<vmem>>, vector<16xi32>,
    %swap3A_214 = arith.constant 13 : i64
    %swap3A_215 = arith.index_cast %swap3A_214 : i64 to index
    %swap3A_216 = arith.constant 16 : index
    %swap3A_217 = tpu.vector_load %arg5[%swap3A_215, %swap3A_216] {strides = array<i32>} : memref<16x64xi32, #tpu.memory_space<vmem>>, vector<16xi32>,
    tpu.vector_store %arg5[%swap3A_215, %swap3A_216], %broadcast_in_dim3A_2 {strides = array<i32>} : memref<16x64xi32, #tpu.memory_space<vmem>>, vector<16xi32>,
    %swap3A_218 = arith.constant 13 : i64
    %swap3A_219 = arith.index_cast %swap3A_218 : i64 to index
    %swap3A_220 = arith.constant 32 : index
    %swap3A_221 = tpu.vector_load %arg5[%swap3A_219, %swap3A_220] {strides = array<i32>} : memref<16x64xi32, #tpu.memory_space<vmem>>, vector<16xi32>,
    tpu.vector_store %arg5[%swap3A_219, %swap3A_220], %broadcast_in_dim3A_2 {strides = array<i32>} : memref<16x64xi32, #tpu.memory_space<vmem>>, vector<16xi32>,
    %swap3A_222 = arith.constant 13 : i64
    %swap3A_223 = arith.index_cast %swap3A_222 : i64 to index
    %swap3A_224 = arith.constant 48 : index
    %swap3A_225 = tpu.vector_load %arg5[%swap3A_223, %swap3A_224] {strides = array<i32>} : memref<16x64xi32, #tpu.memory_space<vmem>>, vector<16xi32>,
    tpu.vector_store %arg5[%swap3A_223, %swap3A_224], %broadcast_in_dim3A_2 {strides = array<i32>} : memref<16x64xi32, #tpu.memory_space<vmem>>, vector<16xi32>,
    %swap3A_226 = arith.constant 14 : i64
    %swap3A_227 = arith.index_cast %swap3A_226 : i64 to index
    %swap3A_228 = arith.constant 0 : index
    %swap3A_229 = tpu.vector_load %arg5[%swap3A_227, %swap3A_228] {strides = array<i32>} : memref<16x64xi32, #tpu.memory_space<vmem>>, vector<16xi32>,
    tpu.vector_store %arg5[%swap3A_227, %swap3A_228], %broadcast_in_dim3A_2 {strides = array<i32>} : memref<16x64xi32, #tpu.memory_space<vmem>>, vector<16xi32>,
    %swap3A_230 = arith.constant 14 : i64
    %swap3A_231 = arith.index_cast %swap3A_230 : i64 to index
    %swap3A_232 = arith.constant 16 : index
    %swap3A_233 = tpu.vector_load %arg5[%swap3A_231, %swap3A_232] {strides = array<i32>} : memref<16x64xi32, #tpu.memory_space<vmem>>, vector<16xi32>,
    tpu.vector_store %arg5[%swap3A_231, %swap3A_232], %broadcast_in_dim3A_2 {strides = array<i32>} : memref<16x64xi32, #tpu.memory_space<vmem>>, vector<16xi32>,
    %swap3A_234 = arith.constant 14 : i64
    %swap3A_235 = arith.index_cast %swap3A_234 : i64 to index
    %swap3A_236 = arith.constant 32 : index
    %swap3A_237 = tpu.vector_load %arg5[%swap3A_235, %swap3A_236] {strides = array<i32>} : memref<16x64xi32, #tpu.memory_space<vmem>>, vector<16xi32>,
    tpu.vector_store %arg5[%swap3A_235, %swap3A_236], %broadcast_in_dim3A_2 {strides = array<i32>} : memref<16x64xi32, #tpu.memory_space<vmem>>, vector<16xi32>,
    %swap3A_238 = arith.constant 14 : i64
    %swap3A_239 = arith.index_cast %swap3A_238 : i64 to index
    %swap3A_240 = arith.constant 48 : index
    %swap3A_241 = tpu.vector_load %arg5[%swap3A_239, %swap3A_240] {strides = array<i32>} : memref<16x64xi32, #tpu.memory_space<vmem>>, vector<16xi32>,
    tpu.vector_store %arg5[%swap3A_239, %swap3A_240], %broadcast_in_dim3A_2 {strides = array<i32>} : memref<16x64xi32, #tpu.memory_space<vmem>>, vector<16xi32>,
    %swap3A_242 = arith.constant 15 : i64
    %swap3A_243 = arith.index_cast %swap3A_242 : i64 to index
    %swap3A_244 = arith.constant 0 : index
    %swap3A_245 = tpu.vector_load %arg5[%swap3A_243, %swap3A_244] {strides = array<i32>} : memref<16x64xi32, #tpu.memory_space<vmem>>, vector<16xi32>,
    tpu.vector_store %arg5[%swap3A_243, %swap3A_244], %broadcast_in_dim3A_2 {strides = array<i32>} : memref<16x64xi32, #tpu.memory_space<vmem>>, vector<16xi32>,
    %swap3A_246 = arith.constant 15 : i64
    %swap3A_247 = arith.index_cast %swap3A_246 : i64 to index
    %swap3A_248 = arith.constant 16 : index
    %swap3A_249 = tpu.vector_load %arg5[%swap3A_247, %swap3A_248] {strides = array<i32>} : memref<16x64xi32, #tpu.memory_space<vmem>>, vector<16xi32>,
    tpu.vector_store %arg5[%swap3A_247, %swap3A_248], %broadcast_in_dim3A_2 {strides = array<i32>} : memref<16x64xi32, #tpu.memory_space<vmem>>, vector<16xi32>,
    %swap3A_250 = arith.constant 15 : i64
    %swap3A_251 = arith.index_cast %swap3A_250 : i64 to index
    %swap3A_252 = arith.constant 32 : index
    %swap3A_253 = tpu.vector_load %arg5[%swap3A_251, %swap3A_252] {strides = array<i32>} : memref<16x64xi32, #tpu.memory_space<vmem>>, vector<16xi32>,
    tpu.vector_store %arg5[%swap3A_251, %swap3A_252], %broadcast_in_dim3A_2 {strides = array<i32>} : memref<16x64xi32, #tpu.memory_space<vmem>>, vector<16xi32>,
    %swap3A_254 = arith.constant 15 : i64
    %swap3A_255 = arith.index_cast %swap3A_254 : i64 to index
    %swap3A_256 = arith.constant 48 : index
    %swap3A_257 = tpu.vector_load %arg5[%swap3A_255, %swap3A_256] {strides = array<i32>} : memref<16x64xi32, #tpu.memory_space<vmem>>, vector<16xi32>,
    tpu.vector_store %arg5[%swap3A_255, %swap3A_256], %broadcast_in_dim3A_2 {strides = array<i32>} : memref<16x64xi32, #tpu.memory_space<vmem>>, vector<16xi32>,
    "tpu.trace_stop"() : () -> ()
    %iota3A = tpu.iota {dimensions = array<i32: 0>} : vector<16xi32>
    %broadcast_in_dim3A_258 = arith.constant 1 : i32
    %broadcast_in_dim3A_259 = vector.broadcast %broadcast_in_dim3A_258 : i32 to vector<16xi32>
    "tpu.trace_start"() <{level = 10 : i32, message = "dma_wait"}> : () -> ()
    %dma_wait3A = tpu.memref_slice %arg2[%mul3A_0] : memref<32768xi32, #tpu.memory_space<hbm>> -> memref<2048xi32, #tpu.memory_space<hbm>>
    %dma_wait3A_260 = tpu.memref_slice %arg2[%mul3A_0] : memref<32768xi32, #tpu.memory_space<hbm>> -> memref<2048xi32, #tpu.memory_space<hbm>>
    tpu.wait_dma2 semaphore(%arg10 : memref<!tpu.dma_semaphore, #tpu.memory_space<semaphore_mem>>) src(%dma_wait3A_260 : memref<2048xi32, #tpu.memory_space<hbm>>) dst(%arg4 : memref<2048xi32, #tpu.memory_space<vmem>>)
    %while3A = arith.constant 0 : i32
    %while3A_261 = arith.constant 0 : i32
    %while3A_262 = arith.constant 128 : i32
    "tpu.trace_stop"() : () -> ()
    "tpu.trace_start"() <{level = 10 : i32, message = "scatter"}> : () -> ()
    %while3A_263 = arith.subi %while3A_262, %while3A_261 : i32
    %while3A_264 = arith.addi %while3A_261, %while3A_263 : i32
    %while3A_265 = arith.constant 1 : i32
    %while3A_266 = arith.divsi %while3A_263, %while3A_265 : i32
    %while3A_267 = arith.muli %while3A_266, %while3A_265 : i32
    %while3A_268 = arith.addi %while3A_261, %while3A_267 : i32
    %while3A_269 = arith.constant 1 : i32
    scf.for %while3A_595 = %while3A_261 to %while3A_268 step %while3A_269  : i32 {
      %mul3A_596 = arith.constant 16 : i32
      %mul3A_597 = arith.muli %while3A_595, %mul3A_596 : i32
      %get3A_598 = arith.index_cast %mul3A_597 : i32 to index
      %get3A_599 = tpu.vector_load %arg4[%get3A_598] {strides = array<i32>} : memref<2048xi32, #tpu.memory_space<vmem>>, vector<16xi32>,
      tpu.vector_store_idx %arg5[%iota3A, %get3A_599], %broadcast_in_dim3A_259 {add = true} : memref<16x64xi32, #tpu.memory_space<vmem>>[vector<16xi32>, vector<16xi32>], vector<16xi32>,
    }
    %while3A_270 = arith.constant 1 : i32
    scf.for %while3A_595 = %while3A_268 to %while3A_264 step %while3A_270  : i32 {
      %mul3A_596 = arith.constant 16 : i32
      %mul3A_597 = arith.muli %while3A_595, %mul3A_596 : i32
      %get3A_598 = arith.index_cast %mul3A_597 : i32 to index
      %get3A_599 = tpu.vector_load %arg4[%get3A_598] {strides = array<i32>} : memref<2048xi32, #tpu.memory_space<vmem>>, vector<16xi32>,
      tpu.vector_store_idx %arg5[%iota3A, %get3A_599], %broadcast_in_dim3A_259 {add = true} : memref<16x64xi32, #tpu.memory_space<vmem>>[vector<16xi32>, vector<16xi32>], vector<16xi32>,
    }
    %get3A = arith.constant 0 : i64
    "tpu.trace_stop"() : () -> ()
    "tpu.trace_start"() <{level = 10 : i32, message = "fold"}> : () -> ()
    %get3A_271 = arith.index_cast %get3A : i64 to index
    %get3A_272 = arith.constant 0 : index
    %get3A_273 = tpu.vector_load %arg5[%get3A_271, %get3A_272] {strides = array<i32>} : memref<16x64xi32, #tpu.memory_space<vmem>>, vector<16xi32>,
    %get3A_274 = arith.constant 1 : i64
    %get3A_275 = arith.index_cast %get3A_274 : i64 to index
    %get3A_276 = arith.constant 0 : index
    %get3A_277 = tpu.vector_load %arg5[%get3A_275, %get3A_276] {strides = array<i32>} : memref<16x64xi32, #tpu.memory_space<vmem>>, vector<16xi32>,
    %add3A = arith.addi %get3A_273, %get3A_277 : vector<16xi32>
    %get3A_278 = arith.constant 2 : i64
    %get3A_279 = arith.index_cast %get3A_278 : i64 to index
    %get3A_280 = arith.constant 0 : index
    %get3A_281 = tpu.vector_load %arg5[%get3A_279, %get3A_280] {strides = array<i32>} : memref<16x64xi32, #tpu.memory_space<vmem>>, vector<16xi32>,
    %add3A_282 = arith.addi %add3A, %get3A_281 : vector<16xi32>
    %get3A_283 = arith.constant 3 : i64
    %get3A_284 = arith.index_cast %get3A_283 : i64 to index
    %get3A_285 = arith.constant 0 : index
    %get3A_286 = tpu.vector_load %arg5[%get3A_284, %get3A_285] {strides = array<i32>} : memref<16x64xi32, #tpu.memory_space<vmem>>, vector<16xi32>,
    %add3A_287 = arith.addi %add3A_282, %get3A_286 : vector<16xi32>
    %get3A_288 = arith.constant 4 : i64
    %get3A_289 = arith.index_cast %get3A_288 : i64 to index
    %get3A_290 = arith.constant 0 : index
    %get3A_291 = tpu.vector_load %arg5[%get3A_289, %get3A_290] {strides = array<i32>} : memref<16x64xi32, #tpu.memory_space<vmem>>, vector<16xi32>,
    %add3A_292 = arith.addi %add3A_287, %get3A_291 : vector<16xi32>
    %get3A_293 = arith.constant 5 : i64
    %get3A_294 = arith.index_cast %get3A_293 : i64 to index
    %get3A_295 = arith.constant 0 : index
    %get3A_296 = tpu.vector_load %arg5[%get3A_294, %get3A_295] {strides = array<i32>} : memref<16x64xi32, #tpu.memory_space<vmem>>, vector<16xi32>,
    %add3A_297 = arith.addi %add3A_292, %get3A_296 : vector<16xi32>
    %get3A_298 = arith.constant 6 : i64
    %get3A_299 = arith.index_cast %get3A_298 : i64 to index
    %get3A_300 = arith.constant 0 : index
    %get3A_301 = tpu.vector_load %arg5[%get3A_299, %get3A_300] {strides = array<i32>} : memref<16x64xi32, #tpu.memory_space<vmem>>, vector<16xi32>,
    %add3A_302 = arith.addi %add3A_297, %get3A_301 : vector<16xi32>
    %get3A_303 = arith.constant 7 : i64
    %get3A_304 = arith.index_cast %get3A_303 : i64 to index
    %get3A_305 = arith.constant 0 : index
    %get3A_306 = tpu.vector_load %arg5[%get3A_304, %get3A_305] {strides = array<i32>} : memref<16x64xi32, #tpu.memory_space<vmem>>, vector<16xi32>,
    %add3A_307 = arith.addi %add3A_302, %get3A_306 : vector<16xi32>
    %get3A_308 = arith.constant 8 : i64
    %get3A_309 = arith.index_cast %get3A_308 : i64 to index
    %get3A_310 = arith.constant 0 : index
    %get3A_311 = tpu.vector_load %arg5[%get3A_309, %get3A_310] {strides = array<i32>} : memref<16x64xi32, #tpu.memory_space<vmem>>, vector<16xi32>,
    %add3A_312 = arith.addi %add3A_307, %get3A_311 : vector<16xi32>
    %get3A_313 = arith.constant 9 : i64
    %get3A_314 = arith.index_cast %get3A_313 : i64 to index
    %get3A_315 = arith.constant 0 : index
    %get3A_316 = tpu.vector_load %arg5[%get3A_314, %get3A_315] {strides = array<i32>} : memref<16x64xi32, #tpu.memory_space<vmem>>, vector<16xi32>,
    %add3A_317 = arith.addi %add3A_312, %get3A_316 : vector<16xi32>
    %get3A_318 = arith.constant 10 : i64
    %get3A_319 = arith.index_cast %get3A_318 : i64 to index
    %get3A_320 = arith.constant 0 : index
    %get3A_321 = tpu.vector_load %arg5[%get3A_319, %get3A_320] {strides = array<i32>} : memref<16x64xi32, #tpu.memory_space<vmem>>, vector<16xi32>,
    %add3A_322 = arith.addi %add3A_317, %get3A_321 : vector<16xi32>
    %get3A_323 = arith.constant 11 : i64
    %get3A_324 = arith.index_cast %get3A_323 : i64 to index
    %get3A_325 = arith.constant 0 : index
    %get3A_326 = tpu.vector_load %arg5[%get3A_324, %get3A_325] {strides = array<i32>} : memref<16x64xi32, #tpu.memory_space<vmem>>, vector<16xi32>,
    %add3A_327 = arith.addi %add3A_322, %get3A_326 : vector<16xi32>
    %get3A_328 = arith.constant 12 : i64
    %get3A_329 = arith.index_cast %get3A_328 : i64 to index
    %get3A_330 = arith.constant 0 : index
    %get3A_331 = tpu.vector_load %arg5[%get3A_329, %get3A_330] {strides = array<i32>} : memref<16x64xi32, #tpu.memory_space<vmem>>, vector<16xi32>,
    %add3A_332 = arith.addi %add3A_327, %get3A_331 : vector<16xi32>
    %get3A_333 = arith.constant 13 : i64
    %get3A_334 = arith.index_cast %get3A_333 : i64 to index
    %get3A_335 = arith.constant 0 : index
    %get3A_336 = tpu.vector_load %arg5[%get3A_334, %get3A_335] {strides = array<i32>} : memref<16x64xi32, #tpu.memory_space<vmem>>, vector<16xi32>,
    %add3A_337 = arith.addi %add3A_332, %get3A_336 : vector<16xi32>
    %get3A_338 = arith.constant 14 : i64
    %get3A_339 = arith.index_cast %get3A_338 : i64 to index
    %get3A_340 = arith.constant 0 : index
    %get3A_341 = tpu.vector_load %arg5[%get3A_339, %get3A_340] {strides = array<i32>} : memref<16x64xi32, #tpu.memory_space<vmem>>, vector<16xi32>,
    %add3A_342 = arith.addi %add3A_337, %get3A_341 : vector<16xi32>
    %get3A_343 = arith.constant 15 : i64
    %get3A_344 = arith.index_cast %get3A_343 : i64 to index
    %get3A_345 = arith.constant 0 : index
    %get3A_346 = tpu.vector_load %arg5[%get3A_344, %get3A_345] {strides = array<i32>} : memref<16x64xi32, #tpu.memory_space<vmem>>, vector<16xi32>,
    %add3A_347 = arith.addi %add3A_342, %get3A_346 : vector<16xi32>
    %swap3A_348 = arith.constant 0 : index
    %swap3A_349 = tpu.vector_load %arg6[%swap3A_348] {strides = array<i32>} : memref<64xi32, #tpu.memory_space<vmem>>, vector<16xi32>,
    tpu.vector_store %arg6[%swap3A_348], %add3A_347 {strides = array<i32>} : memref<64xi32, #tpu.memory_space<vmem>>, vector<16xi32>,
    %get3A_350 = arith.constant 0 : i64
    %get3A_351 = arith.index_cast %get3A_350 : i64 to index
    %get3A_352 = arith.constant 16 : index
    %get3A_353 = tpu.vector_load %arg5[%get3A_351, %get3A_352] {strides = array<i32>} : memref<16x64xi32, #tpu.memory_space<vmem>>, vector<16xi32>,
    %get3A_354 = arith.constant 1 : i64
    %get3A_355 = arith.index_cast %get3A_354 : i64 to index
    %get3A_356 = arith.constant 16 : index
    %get3A_357 = tpu.vector_load %arg5[%get3A_355, %get3A_356] {strides = array<i32>} : memref<16x64xi32, #tpu.memory_space<vmem>>, vector<16xi32>,
    %add3A_358 = arith.addi %get3A_353, %get3A_357 : vector<16xi32>
    %get3A_359 = arith.constant 2 : i64
    %get3A_360 = arith.index_cast %get3A_359 : i64 to index
    %get3A_361 = arith.constant 16 : index
    %get3A_362 = tpu.vector_load %arg5[%get3A_360, %get3A_361] {strides = array<i32>} : memref<16x64xi32, #tpu.memory_space<vmem>>, vector<16xi32>,
    %add3A_363 = arith.addi %add3A_358, %get3A_362 : vector<16xi32>
    %get3A_364 = arith.constant 3 : i64
    %get3A_365 = arith.index_cast %get3A_364 : i64 to index
    %get3A_366 = arith.constant 16 : index
    %get3A_367 = tpu.vector_load %arg5[%get3A_365, %get3A_366] {strides = array<i32>} : memref<16x64xi32, #tpu.memory_space<vmem>>, vector<16xi32>,
    %add3A_368 = arith.addi %add3A_363, %get3A_367 : vector<16xi32>
    %get3A_369 = arith.constant 4 : i64
    %get3A_370 = arith.index_cast %get3A_369 : i64 to index
    %get3A_371 = arith.constant 16 : index
    %get3A_372 = tpu.vector_load %arg5[%get3A_370, %get3A_371] {strides = array<i32>} : memref<16x64xi32, #tpu.memory_space<vmem>>, vector<16xi32>,
    %add3A_373 = arith.addi %add3A_368, %get3A_372 : vector<16xi32>
    %get3A_374 = arith.constant 5 : i64
    %get3A_375 = arith.index_cast %get3A_374 : i64 to index
    %get3A_376 = arith.constant 16 : index
    %get3A_377 = tpu.vector_load %arg5[%get3A_375, %get3A_376] {strides = array<i32>} : memref<16x64xi32, #tpu.memory_space<vmem>>, vector<16xi32>,
    %add3A_378 = arith.addi %add3A_373, %get3A_377 : vector<16xi32>
    %get3A_379 = arith.constant 6 : i64
    %get3A_380 = arith.index_cast %get3A_379 : i64 to index
    %get3A_381 = arith.constant 16 : index
    %get3A_382 = tpu.vector_load %arg5[%get3A_380, %get3A_381] {strides = array<i32>} : memref<16x64xi32, #tpu.memory_space<vmem>>, vector<16xi32>,
    %add3A_383 = arith.addi %add3A_378, %get3A_382 : vector<16xi32>
    %get3A_384 = arith.constant 7 : i64
    %get3A_385 = arith.index_cast %get3A_384 : i64 to index
    %get3A_386 = arith.constant 16 : index
    %get3A_387 = tpu.vector_load %arg5[%get3A_385, %get3A_386] {strides = array<i32>} : memref<16x64xi32, #tpu.memory_space<vmem>>, vector<16xi32>,
    %add3A_388 = arith.addi %add3A_383, %get3A_387 : vector<16xi32>
    %get3A_389 = arith.constant 8 : i64
    %get3A_390 = arith.index_cast %get3A_389 : i64 to index
    %get3A_391 = arith.constant 16 : index
    %get3A_392 = tpu.vector_load %arg5[%get3A_390, %get3A_391] {strides = array<i32>} : memref<16x64xi32, #tpu.memory_space<vmem>>, vector<16xi32>,
    %add3A_393 = arith.addi %add3A_388, %get3A_392 : vector<16xi32>
    %get3A_394 = arith.constant 9 : i64
    %get3A_395 = arith.index_cast %get3A_394 : i64 to index
    %get3A_396 = arith.constant 16 : index
    %get3A_397 = tpu.vector_load %arg5[%get3A_395, %get3A_396] {strides = array<i32>} : memref<16x64xi32, #tpu.memory_space<vmem>>, vector<16xi32>,
    %add3A_398 = arith.addi %add3A_393, %get3A_397 : vector<16xi32>
    %get3A_399 = arith.constant 10 : i64
    %get3A_400 = arith.index_cast %get3A_399 : i64 to index
    %get3A_401 = arith.constant 16 : index
    %get3A_402 = tpu.vector_load %arg5[%get3A_400, %get3A_401] {strides = array<i32>} : memref<16x64xi32, #tpu.memory_space<vmem>>, vector<16xi32>,
    %add3A_403 = arith.addi %add3A_398, %get3A_402 : vector<16xi32>
    %get3A_404 = arith.constant 11 : i64
    %get3A_405 = arith.index_cast %get3A_404 : i64 to index
    %get3A_406 = arith.constant 16 : index
    %get3A_407 = tpu.vector_load %arg5[%get3A_405, %get3A_406] {strides = array<i32>} : memref<16x64xi32, #tpu.memory_space<vmem>>, vector<16xi32>,
    %add3A_408 = arith.addi %add3A_403, %get3A_407 : vector<16xi32>
    %get3A_409 = arith.constant 12 : i64
    %get3A_410 = arith.index_cast %get3A_409 : i64 to index
    %get3A_411 = arith.constant 16 : index
    %get3A_412 = tpu.vector_load %arg5[%get3A_410, %get3A_411] {strides = array<i32>} : memref<16x64xi32, #tpu.memory_space<vmem>>, vector<16xi32>,
    %add3A_413 = arith.addi %add3A_408, %get3A_412 : vector<16xi32>
    %get3A_414 = arith.constant 13 : i64
    %get3A_415 = arith.index_cast %get3A_414 : i64 to index
    %get3A_416 = arith.constant 16 : index
    %get3A_417 = tpu.vector_load %arg5[%get3A_415, %get3A_416] {strides = array<i32>} : memref<16x64xi32, #tpu.memory_space<vmem>>, vector<16xi32>,
    %add3A_418 = arith.addi %add3A_413, %get3A_417 : vector<16xi32>
    %get3A_419 = arith.constant 14 : i64
    %get3A_420 = arith.index_cast %get3A_419 : i64 to index
    %get3A_421 = arith.constant 16 : index
    %get3A_422 = tpu.vector_load %arg5[%get3A_420, %get3A_421] {strides = array<i32>} : memref<16x64xi32, #tpu.memory_space<vmem>>, vector<16xi32>,
    %add3A_423 = arith.addi %add3A_418, %get3A_422 : vector<16xi32>
    %get3A_424 = arith.constant 15 : i64
    %get3A_425 = arith.index_cast %get3A_424 : i64 to index
    %get3A_426 = arith.constant 16 : index
    %get3A_427 = tpu.vector_load %arg5[%get3A_425, %get3A_426] {strides = array<i32>} : memref<16x64xi32, #tpu.memory_space<vmem>>, vector<16xi32>,
    %add3A_428 = arith.addi %add3A_423, %get3A_427 : vector<16xi32>
    %swap3A_429 = arith.constant 16 : index
    %swap3A_430 = tpu.vector_load %arg6[%swap3A_429] {strides = array<i32>} : memref<64xi32, #tpu.memory_space<vmem>>, vector<16xi32>,
    tpu.vector_store %arg6[%swap3A_429], %add3A_428 {strides = array<i32>} : memref<64xi32, #tpu.memory_space<vmem>>, vector<16xi32>,
    %get3A_431 = arith.constant 0 : i64
    %get3A_432 = arith.index_cast %get3A_431 : i64 to index
    %get3A_433 = arith.constant 32 : index
    %get3A_434 = tpu.vector_load %arg5[%get3A_432, %get3A_433] {strides = array<i32>} : memref<16x64xi32, #tpu.memory_space<vmem>>, vector<16xi32>,
    %get3A_435 = arith.constant 1 : i64
    %get3A_436 = arith.index_cast %get3A_435 : i64 to index
    %get3A_437 = arith.constant 32 : index
    %get3A_438 = tpu.vector_load %arg5[%get3A_436, %get3A_437] {strides = array<i32>} : memref<16x64xi32, #tpu.memory_space<vmem>>, vector<16xi32>,
    %add3A_439 = arith.addi %get3A_434, %get3A_438 : vector<16xi32>
    %get3A_440 = arith.constant 2 : i64
    %get3A_441 = arith.index_cast %get3A_440 : i64 to index
    %get3A_442 = arith.constant 32 : index
    %get3A_443 = tpu.vector_load %arg5[%get3A_441, %get3A_442] {strides = array<i32>} : memref<16x64xi32, #tpu.memory_space<vmem>>, vector<16xi32>,
    %add3A_444 = arith.addi %add3A_439, %get3A_443 : vector<16xi32>
    %get3A_445 = arith.constant 3 : i64
    %get3A_446 = arith.index_cast %get3A_445 : i64 to index
    %get3A_447 = arith.constant 32 : index
    %get3A_448 = tpu.vector_load %arg5[%get3A_446, %get3A_447] {strides = array<i32>} : memref<16x64xi32, #tpu.memory_space<vmem>>, vector<16xi32>,
    %add3A_449 = arith.addi %add3A_444, %get3A_448 : vector<16xi32>
    %get3A_450 = arith.constant 4 : i64
    %get3A_451 = arith.index_cast %get3A_450 : i64 to index
    %get3A_452 = arith.constant 32 : index
    %get3A_453 = tpu.vector_load %arg5[%get3A_451, %get3A_452] {strides = array<i32>} : memref<16x64xi32, #tpu.memory_space<vmem>>, vector<16xi32>,
    %add3A_454 = arith.addi %add3A_449, %get3A_453 : vector<16xi32>
    %get3A_455 = arith.constant 5 : i64
    %get3A_456 = arith.index_cast %get3A_455 : i64 to index
    %get3A_457 = arith.constant 32 : index
    %get3A_458 = tpu.vector_load %arg5[%get3A_456, %get3A_457] {strides = array<i32>} : memref<16x64xi32, #tpu.memory_space<vmem>>, vector<16xi32>,
    %add3A_459 = arith.addi %add3A_454, %get3A_458 : vector<16xi32>
    %get3A_460 = arith.constant 6 : i64
    %get3A_461 = arith.index_cast %get3A_460 : i64 to index
    %get3A_462 = arith.constant 32 : index
    %get3A_463 = tpu.vector_load %arg5[%get3A_461, %get3A_462] {strides = array<i32>} : memref<16x64xi32, #tpu.memory_space<vmem>>, vector<16xi32>,
    %add3A_464 = arith.addi %add3A_459, %get3A_463 : vector<16xi32>
    %get3A_465 = arith.constant 7 : i64
    %get3A_466 = arith.index_cast %get3A_465 : i64 to index
    %get3A_467 = arith.constant 32 : index
    %get3A_468 = tpu.vector_load %arg5[%get3A_466, %get3A_467] {strides = array<i32>} : memref<16x64xi32, #tpu.memory_space<vmem>>, vector<16xi32>,
    %add3A_469 = arith.addi %add3A_464, %get3A_468 : vector<16xi32>
    %get3A_470 = arith.constant 8 : i64
    %get3A_471 = arith.index_cast %get3A_470 : i64 to index
    %get3A_472 = arith.constant 32 : index
    %get3A_473 = tpu.vector_load %arg5[%get3A_471, %get3A_472] {strides = array<i32>} : memref<16x64xi32, #tpu.memory_space<vmem>>, vector<16xi32>,
    %add3A_474 = arith.addi %add3A_469, %get3A_473 : vector<16xi32>
    %get3A_475 = arith.constant 9 : i64
    %get3A_476 = arith.index_cast %get3A_475 : i64 to index
    %get3A_477 = arith.constant 32 : index
    %get3A_478 = tpu.vector_load %arg5[%get3A_476, %get3A_477] {strides = array<i32>} : memref<16x64xi32, #tpu.memory_space<vmem>>, vector<16xi32>,
    %add3A_479 = arith.addi %add3A_474, %get3A_478 : vector<16xi32>
    %get3A_480 = arith.constant 10 : i64
    %get3A_481 = arith.index_cast %get3A_480 : i64 to index
    %get3A_482 = arith.constant 32 : index
    %get3A_483 = tpu.vector_load %arg5[%get3A_481, %get3A_482] {strides = array<i32>} : memref<16x64xi32, #tpu.memory_space<vmem>>, vector<16xi32>,
    %add3A_484 = arith.addi %add3A_479, %get3A_483 : vector<16xi32>
    %get3A_485 = arith.constant 11 : i64
    %get3A_486 = arith.index_cast %get3A_485 : i64 to index
    %get3A_487 = arith.constant 32 : index
    %get3A_488 = tpu.vector_load %arg5[%get3A_486, %get3A_487] {strides = array<i32>} : memref<16x64xi32, #tpu.memory_space<vmem>>, vector<16xi32>,
    %add3A_489 = arith.addi %add3A_484, %get3A_488 : vector<16xi32>
    %get3A_490 = arith.constant 12 : i64
    %get3A_491 = arith.index_cast %get3A_490 : i64 to index
    %get3A_492 = arith.constant 32 : index
    %get3A_493 = tpu.vector_load %arg5[%get3A_491, %get3A_492] {strides = array<i32>} : memref<16x64xi32, #tpu.memory_space<vmem>>, vector<16xi32>,
    %add3A_494 = arith.addi %add3A_489, %get3A_493 : vector<16xi32>
    %get3A_495 = arith.constant 13 : i64
    %get3A_496 = arith.index_cast %get3A_495 : i64 to index
    %get3A_497 = arith.constant 32 : index
    %get3A_498 = tpu.vector_load %arg5[%get3A_496, %get3A_497] {strides = array<i32>} : memref<16x64xi32, #tpu.memory_space<vmem>>, vector<16xi32>,
    %add3A_499 = arith.addi %add3A_494, %get3A_498 : vector<16xi32>
    %get3A_500 = arith.constant 14 : i64
    %get3A_501 = arith.index_cast %get3A_500 : i64 to index
    %get3A_502 = arith.constant 32 : index
    %get3A_503 = tpu.vector_load %arg5[%get3A_501, %get3A_502] {strides = array<i32>} : memref<16x64xi32, #tpu.memory_space<vmem>>, vector<16xi32>,
    %add3A_504 = arith.addi %add3A_499, %get3A_503 : vector<16xi32>
    %get3A_505 = arith.constant 15 : i64
    %get3A_506 = arith.index_cast %get3A_505 : i64 to index
    %get3A_507 = arith.constant 32 : index
    %get3A_508 = tpu.vector_load %arg5[%get3A_506, %get3A_507] {strides = array<i32>} : memref<16x64xi32, #tpu.memory_space<vmem>>, vector<16xi32>,
    %add3A_509 = arith.addi %add3A_504, %get3A_508 : vector<16xi32>
    %swap3A_510 = arith.constant 32 : index
    %swap3A_511 = tpu.vector_load %arg6[%swap3A_510] {strides = array<i32>} : memref<64xi32, #tpu.memory_space<vmem>>, vector<16xi32>,
    tpu.vector_store %arg6[%swap3A_510], %add3A_509 {strides = array<i32>} : memref<64xi32, #tpu.memory_space<vmem>>, vector<16xi32>,
    %get3A_512 = arith.constant 0 : i64
    %get3A_513 = arith.index_cast %get3A_512 : i64 to index
    %get3A_514 = arith.constant 48 : index
    %get3A_515 = tpu.vector_load %arg5[%get3A_513, %get3A_514] {strides = array<i32>} : memref<16x64xi32, #tpu.memory_space<vmem>>, vector<16xi32>,
    %get3A_516 = arith.constant 1 : i64
    %get3A_517 = arith.index_cast %get3A_516 : i64 to index
    %get3A_518 = arith.constant 48 : index
    %get3A_519 = tpu.vector_load %arg5[%get3A_517, %get3A_518] {strides = array<i32>} : memref<16x64xi32, #tpu.memory_space<vmem>>, vector<16xi32>,
    %add3A_520 = arith.addi %get3A_515, %get3A_519 : vector<16xi32>
    %get3A_521 = arith.constant 2 : i64
    %get3A_522 = arith.index_cast %get3A_521 : i64 to index
    %get3A_523 = arith.constant 48 : index
    %get3A_524 = tpu.vector_load %arg5[%get3A_522, %get3A_523] {strides = array<i32>} : memref<16x64xi32, #tpu.memory_space<vmem>>, vector<16xi32>,
    %add3A_525 = arith.addi %add3A_520, %get3A_524 : vector<16xi32>
    %get3A_526 = arith.constant 3 : i64
    %get3A_527 = arith.index_cast %get3A_526 : i64 to index
    %get3A_528 = arith.constant 48 : index
    %get3A_529 = tpu.vector_load %arg5[%get3A_527, %get3A_528] {strides = array<i32>} : memref<16x64xi32, #tpu.memory_space<vmem>>, vector<16xi32>,
    %add3A_530 = arith.addi %add3A_525, %get3A_529 : vector<16xi32>
    %get3A_531 = arith.constant 4 : i64
    %get3A_532 = arith.index_cast %get3A_531 : i64 to index
    %get3A_533 = arith.constant 48 : index
    %get3A_534 = tpu.vector_load %arg5[%get3A_532, %get3A_533] {strides = array<i32>} : memref<16x64xi32, #tpu.memory_space<vmem>>, vector<16xi32>,
    %add3A_535 = arith.addi %add3A_530, %get3A_534 : vector<16xi32>
    %get3A_536 = arith.constant 5 : i64
    %get3A_537 = arith.index_cast %get3A_536 : i64 to index
    %get3A_538 = arith.constant 48 : index
    %get3A_539 = tpu.vector_load %arg5[%get3A_537, %get3A_538] {strides = array<i32>} : memref<16x64xi32, #tpu.memory_space<vmem>>, vector<16xi32>,
    %add3A_540 = arith.addi %add3A_535, %get3A_539 : vector<16xi32>
    %get3A_541 = arith.constant 6 : i64
    %get3A_542 = arith.index_cast %get3A_541 : i64 to index
    %get3A_543 = arith.constant 48 : index
    %get3A_544 = tpu.vector_load %arg5[%get3A_542, %get3A_543] {strides = array<i32>} : memref<16x64xi32, #tpu.memory_space<vmem>>, vector<16xi32>,
    %add3A_545 = arith.addi %add3A_540, %get3A_544 : vector<16xi32>
    %get3A_546 = arith.constant 7 : i64
    %get3A_547 = arith.index_cast %get3A_546 : i64 to index
    %get3A_548 = arith.constant 48 : index
    %get3A_549 = tpu.vector_load %arg5[%get3A_547, %get3A_548] {strides = array<i32>} : memref<16x64xi32, #tpu.memory_space<vmem>>, vector<16xi32>,
    %add3A_550 = arith.addi %add3A_545, %get3A_549 : vector<16xi32>
    %get3A_551 = arith.constant 8 : i64
    %get3A_552 = arith.index_cast %get3A_551 : i64 to index
    %get3A_553 = arith.constant 48 : index
    %get3A_554 = tpu.vector_load %arg5[%get3A_552, %get3A_553] {strides = array<i32>} : memref<16x64xi32, #tpu.memory_space<vmem>>, vector<16xi32>,
    %add3A_555 = arith.addi %add3A_550, %get3A_554 : vector<16xi32>
    %get3A_556 = arith.constant 9 : i64
    %get3A_557 = arith.index_cast %get3A_556 : i64 to index
    %get3A_558 = arith.constant 48 : index
    %get3A_559 = tpu.vector_load %arg5[%get3A_557, %get3A_558] {strides = array<i32>} : memref<16x64xi32, #tpu.memory_space<vmem>>, vector<16xi32>,
    %add3A_560 = arith.addi %add3A_555, %get3A_559 : vector<16xi32>
    %get3A_561 = arith.constant 10 : i64
    %get3A_562 = arith.index_cast %get3A_561 : i64 to index
    %get3A_563 = arith.constant 48 : index
    %get3A_564 = tpu.vector_load %arg5[%get3A_562, %get3A_563] {strides = array<i32>} : memref<16x64xi32, #tpu.memory_space<vmem>>, vector<16xi32>,
    %add3A_565 = arith.addi %add3A_560, %get3A_564 : vector<16xi32>
    %get3A_566 = arith.constant 11 : i64
    %get3A_567 = arith.index_cast %get3A_566 : i64 to index
    %get3A_568 = arith.constant 48 : index
    %get3A_569 = tpu.vector_load %arg5[%get3A_567, %get3A_568] {strides = array<i32>} : memref<16x64xi32, #tpu.memory_space<vmem>>, vector<16xi32>,
    %add3A_570 = arith.addi %add3A_565, %get3A_569 : vector<16xi32>
    %get3A_571 = arith.constant 12 : i64
    %get3A_572 = arith.index_cast %get3A_571 : i64 to index
    %get3A_573 = arith.constant 48 : index
    %get3A_574 = tpu.vector_load %arg5[%get3A_572, %get3A_573] {strides = array<i32>} : memref<16x64xi32, #tpu.memory_space<vmem>>, vector<16xi32>,
    %add3A_575 = arith.addi %add3A_570, %get3A_574 : vector<16xi32>
    %get3A_576 = arith.constant 13 : i64
    %get3A_577 = arith.index_cast %get3A_576 : i64 to index
    %get3A_578 = arith.constant 48 : index
    %get3A_579 = tpu.vector_load %arg5[%get3A_577, %get3A_578] {strides = array<i32>} : memref<16x64xi32, #tpu.memory_space<vmem>>, vector<16xi32>,
    %add3A_580 = arith.addi %add3A_575, %get3A_579 : vector<16xi32>
    %get3A_581 = arith.constant 14 : i64
    %get3A_582 = arith.index_cast %get3A_581 : i64 to index
    %get3A_583 = arith.constant 48 : index
    %get3A_584 = tpu.vector_load %arg5[%get3A_582, %get3A_583] {strides = array<i32>} : memref<16x64xi32, #tpu.memory_space<vmem>>, vector<16xi32>,
    %add3A_585 = arith.addi %add3A_580, %get3A_584 : vector<16xi32>
    %get3A_586 = arith.constant 15 : i64
    %get3A_587 = arith.index_cast %get3A_586 : i64 to index
    %get3A_588 = arith.constant 48 : index
    %get3A_589 = tpu.vector_load %arg5[%get3A_587, %get3A_588] {strides = array<i32>} : memref<16x64xi32, #tpu.memory_space<vmem>>, vector<16xi32>,
    %add3A_590 = arith.addi %add3A_585, %get3A_589 : vector<16xi32>
    %swap3A_591 = arith.constant 48 : index
    %swap3A_592 = tpu.vector_load %arg6[%swap3A_591] {strides = array<i32>} : memref<64xi32, #tpu.memory_space<vmem>>, vector<16xi32>,
    tpu.vector_store %arg6[%swap3A_591], %add3A_590 {strides = array<i32>} : memref<64xi32, #tpu.memory_space<vmem>>, vector<16xi32>,
    "tpu.trace_stop"() : () -> ()
    "tpu.trace_start"() <{level = 10 : i32, message = "publish"}> : () -> ()
    "tpu.region"() ({
      %run_scoped3A = tpu.sem_alloc : memref<!tpu.dma_semaphore, #tpu.memory_space<semaphore_mem>>
      %dma_start3A_595 = arith.constant 0 : i32
      %dma_start3A_596 = tpu.memref_slice %arg7[%arg1, %dma_start3A_595] : memref<16x64xi32, #tpu.memory_space<vmem_shared>> -> memref<1x64xi32, #tpu.memory_space<vmem_shared>>
      %dma_start3A_597 = tpu.memref_squeeze %dma_start3A_596 : memref<1x64xi32, #tpu.memory_space<vmem_shared>> -> memref<64xi32, #tpu.memory_space<vmem_shared>>
      %dma_start3A_598 = arith.constant 0 : i32
      %dma_start3A_599 = tpu.memref_slice %arg7[%arg1, %dma_start3A_598] : memref<16x64xi32, #tpu.memory_space<vmem_shared>> -> memref<1x64xi32, #tpu.memory_space<vmem_shared>>
      %dma_start3A_600 = tpu.memref_squeeze %dma_start3A_599 : memref<1x64xi32, #tpu.memory_space<vmem_shared>> -> memref<64xi32, #tpu.memory_space<vmem_shared>>
      tpu.enqueue_dma source(%arg6 : memref<64xi32, #tpu.memory_space<vmem>>) target(%dma_start3A_600 : memref<64xi32, #tpu.memory_space<vmem_shared>>) target_semaphore(%run_scoped3A : memref<!tpu.dma_semaphore, #tpu.memory_space<semaphore_mem>>)
      %dma_wait3A_601 = arith.constant 0 : i32
      %dma_wait3A_602 = tpu.memref_slice %arg7[%arg1, %dma_wait3A_601] : memref<16x64xi32, #tpu.memory_space<vmem_shared>> -> memref<1x64xi32, #tpu.memory_space<vmem_shared>>
      %dma_wait3A_603 = tpu.memref_squeeze %dma_wait3A_602 : memref<1x64xi32, #tpu.memory_space<vmem_shared>> -> memref<64xi32, #tpu.memory_space<vmem_shared>>
      %dma_wait3A_604 = arith.constant 0 : i32
      %dma_wait3A_605 = tpu.memref_slice %arg7[%arg1, %dma_wait3A_604] : memref<16x64xi32, #tpu.memory_space<vmem_shared>> -> memref<1x64xi32, #tpu.memory_space<vmem_shared>>
      %dma_wait3A_606 = tpu.memref_squeeze %dma_wait3A_605 : memref<1x64xi32, #tpu.memory_space<vmem_shared>> -> memref<64xi32, #tpu.memory_space<vmem_shared>>
      tpu.wait_dma2 semaphore(%run_scoped3A : memref<!tpu.dma_semaphore, #tpu.memory_space<semaphore_mem>>) src(%arg6 : memref<64xi32, #tpu.memory_space<vmem>>) dst(%dma_wait3A_606 : memref<64xi32, #tpu.memory_space<vmem_shared>>)
      tpu.yield
    }) : () -> ()
    "tpu.trace_stop"() : () -> ()
    "tpu.trace_start"() <{level = 10 : i32, message = "barrier"}> : () -> ()
    %barrier3A = arith.constant 0 : index
    tpu.barrier barrier_id(%barrier3A)
    %eq3A = arith.constant 0 : i32
    "tpu.trace_stop"() : () -> ()
    %eq3A_593 = arith.cmpi eq, %arg1, %eq3A : i32
    %convert_element_type3A = arith.extui %eq3A_593 : i1 to i32
    %cond3A = arith.constant 0 : i32
    %cond3A_594 = arith.cmpi ne, %convert_element_type3A, %cond3A : i32
    scf.if %cond3A_594 {
      "tpu.trace_start"() <{level = 10 : i32, message = "finalize"}> : () -> ()
      "tpu.region"() ({
        %run_scoped3A = tpu.sem_alloc : memref<!tpu.dma_semaphore, #tpu.memory_space<semaphore_mem>>
        tpu.enqueue_dma source(%arg7 : memref<16x64xi32, #tpu.memory_space<vmem_shared>>) target(%arg8 : memref<16x64xi32, #tpu.memory_space<vmem>>) target_semaphore(%run_scoped3A : memref<!tpu.dma_semaphore, #tpu.memory_space<semaphore_mem>>)
        tpu.wait_dma2 semaphore(%run_scoped3A : memref<!tpu.dma_semaphore, #tpu.memory_space<semaphore_mem>>) src(%arg7 : memref<16x64xi32, #tpu.memory_space<vmem_shared>>) dst(%arg8 : memref<16x64xi32, #tpu.memory_space<vmem>>)
        tpu.yield
      }) : () -> ()
      %get3A_595 = arith.constant 0 : i64
      %get3A_596 = arith.index_cast %get3A_595 : i64 to index
      %get3A_597 = arith.constant 0 : index
      %get3A_598 = tpu.vector_load %arg8[%get3A_596, %get3A_597] {strides = array<i32>} : memref<16x64xi32, #tpu.memory_space<vmem>>, vector<16xi32>,
      %get3A_599 = arith.constant 1 : i64
      %get3A_600 = arith.index_cast %get3A_599 : i64 to index
      %get3A_601 = arith.constant 0 : index
      %get3A_602 = tpu.vector_load %arg8[%get3A_600, %get3A_601] {strides = array<i32>} : memref<16x64xi32, #tpu.memory_space<vmem>>, vector<16xi32>,
      %add3A_603 = arith.addi %get3A_598, %get3A_602 : vector<16xi32>
      %get3A_604 = arith.constant 2 : i64
      %get3A_605 = arith.index_cast %get3A_604 : i64 to index
      %get3A_606 = arith.constant 0 : index
      %get3A_607 = tpu.vector_load %arg8[%get3A_605, %get3A_606] {strides = array<i32>} : memref<16x64xi32, #tpu.memory_space<vmem>>, vector<16xi32>,
      %add3A_608 = arith.addi %add3A_603, %get3A_607 : vector<16xi32>
      %get3A_609 = arith.constant 3 : i64
      %get3A_610 = arith.index_cast %get3A_609 : i64 to index
      %get3A_611 = arith.constant 0 : index
      %get3A_612 = tpu.vector_load %arg8[%get3A_610, %get3A_611] {strides = array<i32>} : memref<16x64xi32, #tpu.memory_space<vmem>>, vector<16xi32>,
      %add3A_613 = arith.addi %add3A_608, %get3A_612 : vector<16xi32>
      %get3A_614 = arith.constant 4 : i64
      %get3A_615 = arith.index_cast %get3A_614 : i64 to index
      %get3A_616 = arith.constant 0 : index
      %get3A_617 = tpu.vector_load %arg8[%get3A_615, %get3A_616] {strides = array<i32>} : memref<16x64xi32, #tpu.memory_space<vmem>>, vector<16xi32>,
      %add3A_618 = arith.addi %add3A_613, %get3A_617 : vector<16xi32>
      %get3A_619 = arith.constant 5 : i64
      %get3A_620 = arith.index_cast %get3A_619 : i64 to index
      %get3A_621 = arith.constant 0 : index
      %get3A_622 = tpu.vector_load %arg8[%get3A_620, %get3A_621] {strides = array<i32>} : memref<16x64xi32, #tpu.memory_space<vmem>>, vector<16xi32>,
      %add3A_623 = arith.addi %add3A_618, %get3A_622 : vector<16xi32>
      %get3A_624 = arith.constant 6 : i64
      %get3A_625 = arith.index_cast %get3A_624 : i64 to index
      %get3A_626 = arith.constant 0 : index
      %get3A_627 = tpu.vector_load %arg8[%get3A_625, %get3A_626] {strides = array<i32>} : memref<16x64xi32, #tpu.memory_space<vmem>>, vector<16xi32>,
      %add3A_628 = arith.addi %add3A_623, %get3A_627 : vector<16xi32>
      %get3A_629 = arith.constant 7 : i64
      %get3A_630 = arith.index_cast %get3A_629 : i64 to index
      %get3A_631 = arith.constant 0 : index
      %get3A_632 = tpu.vector_load %arg8[%get3A_630, %get3A_631] {strides = array<i32>} : memref<16x64xi32, #tpu.memory_space<vmem>>, vector<16xi32>,
      %add3A_633 = arith.addi %add3A_628, %get3A_632 : vector<16xi32>
      %get3A_634 = arith.constant 8 : i64
      %get3A_635 = arith.index_cast %get3A_634 : i64 to index
      %get3A_636 = arith.constant 0 : index
      %get3A_637 = tpu.vector_load %arg8[%get3A_635, %get3A_636] {strides = array<i32>} : memref<16x64xi32, #tpu.memory_space<vmem>>, vector<16xi32>,
      %add3A_638 = arith.addi %add3A_633, %get3A_637 : vector<16xi32>
      %get3A_639 = arith.constant 9 : i64
      %get3A_640 = arith.index_cast %get3A_639 : i64 to index
      %get3A_641 = arith.constant 0 : index
      %get3A_642 = tpu.vector_load %arg8[%get3A_640, %get3A_641] {strides = array<i32>} : memref<16x64xi32, #tpu.memory_space<vmem>>, vector<16xi32>,
      %add3A_643 = arith.addi %add3A_638, %get3A_642 : vector<16xi32>
      %get3A_644 = arith.constant 10 : i64
      %get3A_645 = arith.index_cast %get3A_644 : i64 to index
      %get3A_646 = arith.constant 0 : index
      %get3A_647 = tpu.vector_load %arg8[%get3A_645, %get3A_646] {strides = array<i32>} : memref<16x64xi32, #tpu.memory_space<vmem>>, vector<16xi32>,
      %add3A_648 = arith.addi %add3A_643, %get3A_647 : vector<16xi32>
      %get3A_649 = arith.constant 11 : i64
      %get3A_650 = arith.index_cast %get3A_649 : i64 to index
      %get3A_651 = arith.constant 0 : index
      %get3A_652 = tpu.vector_load %arg8[%get3A_650, %get3A_651] {strides = array<i32>} : memref<16x64xi32, #tpu.memory_space<vmem>>, vector<16xi32>,
      %add3A_653 = arith.addi %add3A_648, %get3A_652 : vector<16xi32>
      %get3A_654 = arith.constant 12 : i64
      %get3A_655 = arith.index_cast %get3A_654 : i64 to index
      %get3A_656 = arith.constant 0 : index
      %get3A_657 = tpu.vector_load %arg8[%get3A_655, %get3A_656] {strides = array<i32>} : memref<16x64xi32, #tpu.memory_space<vmem>>, vector<16xi32>,
      %add3A_658 = arith.addi %add3A_653, %get3A_657 : vector<16xi32>
      %get3A_659 = arith.constant 13 : i64
      %get3A_660 = arith.index_cast %get3A_659 : i64 to index
      %get3A_661 = arith.constant 0 : index
      %get3A_662 = tpu.vector_load %arg8[%get3A_660, %get3A_661] {strides = array<i32>} : memref<16x64xi32, #tpu.memory_space<vmem>>, vector<16xi32>,
      %add3A_663 = arith.addi %add3A_658, %get3A_662 : vector<16xi32>
      %get3A_664 = arith.constant 14 : i64
      %get3A_665 = arith.index_cast %get3A_664 : i64 to index
      %get3A_666 = arith.constant 0 : index
      %get3A_667 = tpu.vector_load %arg8[%get3A_665, %get3A_666] {strides = array<i32>} : memref<16x64xi32, #tpu.memory_space<vmem>>, vector<16xi32>,
      %add3A_668 = arith.addi %add3A_663, %get3A_667 : vector<16xi32>
      %get3A_669 = arith.constant 15 : i64
      %get3A_670 = arith.index_cast %get3A_669 : i64 to index
      %get3A_671 = arith.constant 0 : index
      %get3A_672 = tpu.vector_load %arg8[%get3A_670, %get3A_671] {strides = array<i32>} : memref<16x64xi32, #tpu.memory_space<vmem>>, vector<16xi32>,
      %add3A_673 = arith.addi %add3A_668, %get3A_672 : vector<16xi32>
      %gt3A = arith.constant 0 : i32
      %gt3A_674 = vector.broadcast %gt3A : i32 to vector<16xi32>
      %gt3A_675 = arith.cmpi sgt, %add3A_673, %gt3A_674 : vector<16xi32>
      %add3A_676 = arith.constant 1 : i32
      %add3A_677 = vector.broadcast %add3A_676 : i32 to vector<16xi32>
      %add3A_678 = arith.addi %iota3A, %add3A_677 : vector<16xi32>
      %jit3A = arith.constant 0 : i32
      %broadcast_in_dim3A_679 = vector.broadcast %jit3A : i32 to vector<16xi32>
      %select_n3A = arith.select %gt3A_675, %add3A_678, %broadcast_in_dim3A_679 : vector<16xi1>, vector<16xi32>
      %reduce_max3A = arith.constant true
      %reduce_max3A_680 = vector.broadcast %reduce_max3A : i1 to vector<16xi1>
      %reduce_max3A_681 = arith.constant -2147483648 : i32
      %reduce_max3A_682 = vector.broadcast %reduce_max3A_681 : i32 to vector<16xi32>
      %reduce_max3A_683 = arith.xori %select_n3A, %reduce_max3A_682 : vector<16xi32>
      %reduce_max3A_684 = tpu.scan <max>, %reduce_max3A_683 masked %reduce_max3A_680 : vector<16xi32>, vector<16xi1> -> vector<16xi32>
      %reduce_max3A_685 = arith.xori %reduce_max3A_684, %reduce_max3A_682 : vector<16xi32>
      %reduce_max3A_686 = vector.extract %reduce_max3A_685[15] : i32 from vector<16xi32>
      %max3A = arith.constant 0 : i32
      %max3A_687 = arith.maxsi %max3A, %reduce_max3A_686 : i32
      %convert_element_type3A_688 = arith.sitofp %add3A_673 : vector<16xi32> to vector<16xf32>
      %sub3A = arith.constant 5.120000e+02 : f32
      %sub3A_689 = vector.broadcast %sub3A : f32 to vector<16xf32>
      %sub3A_690 = arith.subf %convert_element_type3A_688, %sub3A_689 : vector<16xf32>
      %max3A_691 = arith.constant 0.000000e+00 : f32
      %max3A_692 = vector.broadcast %max3A_691 : f32 to vector<16xf32>
      %max3A_693 = arith.maximumf %sub3A_690, %max3A_692 : vector<16xf32>
      %mul3A_694 = arith.mulf %max3A_693, %max3A_693 : vector<16xf32>
      %reduce_sum3A = arith.constant true
      %reduce_sum3A_695 = vector.broadcast %reduce_sum3A : i1 to vector<16xi1>
      %reduce_sum3A_696 = tpu.scan <sum>, %mul3A_694 masked %reduce_sum3A_695 : vector<16xf32>, vector<16xi1> -> vector<16xf32>
      %reduce_sum3A_697 = vector.extract %reduce_sum3A_696[15] : f32 from vector<16xf32>
      %add3A_698 = arith.constant 0.000000e+00 : f32
      %add3A_699 = arith.addf %add3A_698, %reduce_sum3A_697 : f32
      %get3A_700 = arith.constant 0 : i64
      %get3A_701 = arith.index_cast %get3A_700 : i64 to index
      %get3A_702 = arith.constant 16 : index
      %get3A_703 = tpu.vector_load %arg8[%get3A_701, %get3A_702] {strides = array<i32>} : memref<16x64xi32, #tpu.memory_space<vmem>>, vector<16xi32>,
      %get3A_704 = arith.constant 1 : i64
      %get3A_705 = arith.index_cast %get3A_704 : i64 to index
      %get3A_706 = arith.constant 16 : index
      %get3A_707 = tpu.vector_load %arg8[%get3A_705, %get3A_706] {strides = array<i32>} : memref<16x64xi32, #tpu.memory_space<vmem>>, vector<16xi32>,
      %add3A_708 = arith.addi %get3A_703, %get3A_707 : vector<16xi32>
      %get3A_709 = arith.constant 2 : i64
      %get3A_710 = arith.index_cast %get3A_709 : i64 to index
      %get3A_711 = arith.constant 16 : index
      %get3A_712 = tpu.vector_load %arg8[%get3A_710, %get3A_711] {strides = array<i32>} : memref<16x64xi32, #tpu.memory_space<vmem>>, vector<16xi32>,
      %add3A_713 = arith.addi %add3A_708, %get3A_712 : vector<16xi32>
      %get3A_714 = arith.constant 3 : i64
      %get3A_715 = arith.index_cast %get3A_714 : i64 to index
      %get3A_716 = arith.constant 16 : index
      %get3A_717 = tpu.vector_load %arg8[%get3A_715, %get3A_716] {strides = array<i32>} : memref<16x64xi32, #tpu.memory_space<vmem>>, vector<16xi32>,
      %add3A_718 = arith.addi %add3A_713, %get3A_717 : vector<16xi32>
      %get3A_719 = arith.constant 4 : i64
      %get3A_720 = arith.index_cast %get3A_719 : i64 to index
      %get3A_721 = arith.constant 16 : index
      %get3A_722 = tpu.vector_load %arg8[%get3A_720, %get3A_721] {strides = array<i32>} : memref<16x64xi32, #tpu.memory_space<vmem>>, vector<16xi32>,
      %add3A_723 = arith.addi %add3A_718, %get3A_722 : vector<16xi32>
      %get3A_724 = arith.constant 5 : i64
      %get3A_725 = arith.index_cast %get3A_724 : i64 to index
      %get3A_726 = arith.constant 16 : index
      %get3A_727 = tpu.vector_load %arg8[%get3A_725, %get3A_726] {strides = array<i32>} : memref<16x64xi32, #tpu.memory_space<vmem>>, vector<16xi32>,
      %add3A_728 = arith.addi %add3A_723, %get3A_727 : vector<16xi32>
      %get3A_729 = arith.constant 6 : i64
      %get3A_730 = arith.index_cast %get3A_729 : i64 to index
      %get3A_731 = arith.constant 16 : index
      %get3A_732 = tpu.vector_load %arg8[%get3A_730, %get3A_731] {strides = array<i32>} : memref<16x64xi32, #tpu.memory_space<vmem>>, vector<16xi32>,
      %add3A_733 = arith.addi %add3A_728, %get3A_732 : vector<16xi32>
      %get3A_734 = arith.constant 7 : i64
      %get3A_735 = arith.index_cast %get3A_734 : i64 to index
      %get3A_736 = arith.constant 16 : index
      %get3A_737 = tpu.vector_load %arg8[%get3A_735, %get3A_736] {strides = array<i32>} : memref<16x64xi32, #tpu.memory_space<vmem>>, vector<16xi32>,
      %add3A_738 = arith.addi %add3A_733, %get3A_737 : vector<16xi32>
      %get3A_739 = arith.constant 8 : i64
      %get3A_740 = arith.index_cast %get3A_739 : i64 to index
      %get3A_741 = arith.constant 16 : index
      %get3A_742 = tpu.vector_load %arg8[%get3A_740, %get3A_741] {strides = array<i32>} : memref<16x64xi32, #tpu.memory_space<vmem>>, vector<16xi32>,
      %add3A_743 = arith.addi %add3A_738, %get3A_742 : vector<16xi32>
      %get3A_744 = arith.constant 9 : i64
      %get3A_745 = arith.index_cast %get3A_744 : i64 to index
      %get3A_746 = arith.constant 16 : index
      %get3A_747 = tpu.vector_load %arg8[%get3A_745, %get3A_746] {strides = array<i32>} : memref<16x64xi32, #tpu.memory_space<vmem>>, vector<16xi32>,
      %add3A_748 = arith.addi %add3A_743, %get3A_747 : vector<16xi32>
      %get3A_749 = arith.constant 10 : i64
      %get3A_750 = arith.index_cast %get3A_749 : i64 to index
      %get3A_751 = arith.constant 16 : index
      %get3A_752 = tpu.vector_load %arg8[%get3A_750, %get3A_751] {strides = array<i32>} : memref<16x64xi32, #tpu.memory_space<vmem>>, vector<16xi32>,
      %add3A_753 = arith.addi %add3A_748, %get3A_752 : vector<16xi32>
      %get3A_754 = arith.constant 11 : i64
      %get3A_755 = arith.index_cast %get3A_754 : i64 to index
      %get3A_756 = arith.constant 16 : index
      %get3A_757 = tpu.vector_load %arg8[%get3A_755, %get3A_756] {strides = array<i32>} : memref<16x64xi32, #tpu.memory_space<vmem>>, vector<16xi32>,
      %add3A_758 = arith.addi %add3A_753, %get3A_757 : vector<16xi32>
      %get3A_759 = arith.constant 12 : i64
      %get3A_760 = arith.index_cast %get3A_759 : i64 to index
      %get3A_761 = arith.constant 16 : index
      %get3A_762 = tpu.vector_load %arg8[%get3A_760, %get3A_761] {strides = array<i32>} : memref<16x64xi32, #tpu.memory_space<vmem>>, vector<16xi32>,
      %add3A_763 = arith.addi %add3A_758, %get3A_762 : vector<16xi32>
      %get3A_764 = arith.constant 13 : i64
      %get3A_765 = arith.index_cast %get3A_764 : i64 to index
      %get3A_766 = arith.constant 16 : index
      %get3A_767 = tpu.vector_load %arg8[%get3A_765, %get3A_766] {strides = array<i32>} : memref<16x64xi32, #tpu.memory_space<vmem>>, vector<16xi32>,
      %add3A_768 = arith.addi %add3A_763, %get3A_767 : vector<16xi32>
      %get3A_769 = arith.constant 14 : i64
      %get3A_770 = arith.index_cast %get3A_769 : i64 to index
      %get3A_771 = arith.constant 16 : index
      %get3A_772 = tpu.vector_load %arg8[%get3A_770, %get3A_771] {strides = array<i32>} : memref<16x64xi32, #tpu.memory_space<vmem>>, vector<16xi32>,
      %add3A_773 = arith.addi %add3A_768, %get3A_772 : vector<16xi32>
      %get3A_774 = arith.constant 15 : i64
      %get3A_775 = arith.index_cast %get3A_774 : i64 to index
      %get3A_776 = arith.constant 16 : index
      %get3A_777 = tpu.vector_load %arg8[%get3A_775, %get3A_776] {strides = array<i32>} : memref<16x64xi32, #tpu.memory_space<vmem>>, vector<16xi32>,
      %add3A_778 = arith.addi %add3A_773, %get3A_777 : vector<16xi32>
      %gt3A_779 = arith.constant 0 : i32
      %gt3A_780 = vector.broadcast %gt3A_779 : i32 to vector<16xi32>
      %gt3A_781 = arith.cmpi sgt, %add3A_778, %gt3A_780 : vector<16xi32>
      %add3A_782 = arith.constant 17 : i32
      %add3A_783 = vector.broadcast %add3A_782 : i32 to vector<16xi32>
      %add3A_784 = arith.addi %iota3A, %add3A_783 : vector<16xi32>
      %jit3A_785 = arith.constant 0 : i32
      %broadcast_in_dim3A_786 = vector.broadcast %jit3A_785 : i32 to vector<16xi32>
      %select_n3A_787 = arith.select %gt3A_781, %add3A_784, %broadcast_in_dim3A_786 : vector<16xi1>, vector<16xi32>
      %reduce_max3A_788 = arith.constant true
      %reduce_max3A_789 = vector.broadcast %reduce_max3A_788 : i1 to vector<16xi1>
      %reduce_max3A_790 = arith.constant -2147483648 : i32
      %reduce_max3A_791 = vector.broadcast %reduce_max3A_790 : i32 to vector<16xi32>
      %reduce_max3A_792 = arith.xori %select_n3A_787, %reduce_max3A_791 : vector<16xi32>
      %reduce_max3A_793 = tpu.scan <max>, %reduce_max3A_792 masked %reduce_max3A_789 : vector<16xi32>, vector<16xi1> -> vector<16xi32>
      %reduce_max3A_794 = arith.xori %reduce_max3A_793, %reduce_max3A_791 : vector<16xi32>
      %reduce_max3A_795 = vector.extract %reduce_max3A_794[15] : i32 from vector<16xi32>
      %max3A_796 = arith.maxsi %max3A_687, %reduce_max3A_795 : i32
      %convert_element_type3A_797 = arith.sitofp %add3A_778 : vector<16xi32> to vector<16xf32>
      %sub3A_798 = arith.constant 5.120000e+02 : f32
      %sub3A_799 = vector.broadcast %sub3A_798 : f32 to vector<16xf32>
      %sub3A_800 = arith.subf %convert_element_type3A_797, %sub3A_799 : vector<16xf32>
      %max3A_801 = arith.constant 0.000000e+00 : f32
      %max3A_802 = vector.broadcast %max3A_801 : f32 to vector<16xf32>
      %max3A_803 = arith.maximumf %sub3A_800, %max3A_802 : vector<16xf32>
      %mul3A_804 = arith.mulf %max3A_803, %max3A_803 : vector<16xf32>
      %reduce_sum3A_805 = arith.constant true
      %reduce_sum3A_806 = vector.broadcast %reduce_sum3A_805 : i1 to vector<16xi1>
      %reduce_sum3A_807 = tpu.scan <sum>, %mul3A_804 masked %reduce_sum3A_806 : vector<16xf32>, vector<16xi1> -> vector<16xf32>
      %reduce_sum3A_808 = vector.extract %reduce_sum3A_807[15] : f32 from vector<16xf32>
      %add3A_809 = arith.addf %add3A_699, %reduce_sum3A_808 : f32
      %get3A_810 = arith.constant 0 : i64
      %get3A_811 = arith.index_cast %get3A_810 : i64 to index
      %get3A_812 = arith.constant 32 : index
      %get3A_813 = tpu.vector_load %arg8[%get3A_811, %get3A_812] {strides = array<i32>} : memref<16x64xi32, #tpu.memory_space<vmem>>, vector<16xi32>,
      %get3A_814 = arith.constant 1 : i64
      %get3A_815 = arith.index_cast %get3A_814 : i64 to index
      %get3A_816 = arith.constant 32 : index
      %get3A_817 = tpu.vector_load %arg8[%get3A_815, %get3A_816] {strides = array<i32>} : memref<16x64xi32, #tpu.memory_space<vmem>>, vector<16xi32>,
      %add3A_818 = arith.addi %get3A_813, %get3A_817 : vector<16xi32>
      %get3A_819 = arith.constant 2 : i64
      %get3A_820 = arith.index_cast %get3A_819 : i64 to index
      %get3A_821 = arith.constant 32 : index
      %get3A_822 = tpu.vector_load %arg8[%get3A_820, %get3A_821] {strides = array<i32>} : memref<16x64xi32, #tpu.memory_space<vmem>>, vector<16xi32>,
      %add3A_823 = arith.addi %add3A_818, %get3A_822 : vector<16xi32>
      %get3A_824 = arith.constant 3 : i64
      %get3A_825 = arith.index_cast %get3A_824 : i64 to index
      %get3A_826 = arith.constant 32 : index
      %get3A_827 = tpu.vector_load %arg8[%get3A_825, %get3A_826] {strides = array<i32>} : memref<16x64xi32, #tpu.memory_space<vmem>>, vector<16xi32>,
      %add3A_828 = arith.addi %add3A_823, %get3A_827 : vector<16xi32>
      %get3A_829 = arith.constant 4 : i64
      %get3A_830 = arith.index_cast %get3A_829 : i64 to index
      %get3A_831 = arith.constant 32 : index
      %get3A_832 = tpu.vector_load %arg8[%get3A_830, %get3A_831] {strides = array<i32>} : memref<16x64xi32, #tpu.memory_space<vmem>>, vector<16xi32>,
      %add3A_833 = arith.addi %add3A_828, %get3A_832 : vector<16xi32>
      %get3A_834 = arith.constant 5 : i64
      %get3A_835 = arith.index_cast %get3A_834 : i64 to index
      %get3A_836 = arith.constant 32 : index
      %get3A_837 = tpu.vector_load %arg8[%get3A_835, %get3A_836] {strides = array<i32>} : memref<16x64xi32, #tpu.memory_space<vmem>>, vector<16xi32>,
      %add3A_838 = arith.addi %add3A_833, %get3A_837 : vector<16xi32>
      %get3A_839 = arith.constant 6 : i64
      %get3A_840 = arith.index_cast %get3A_839 : i64 to index
      %get3A_841 = arith.constant 32 : index
      %get3A_842 = tpu.vector_load %arg8[%get3A_840, %get3A_841] {strides = array<i32>} : memref<16x64xi32, #tpu.memory_space<vmem>>, vector<16xi32>,
      %add3A_843 = arith.addi %add3A_838, %get3A_842 : vector<16xi32>
      %get3A_844 = arith.constant 7 : i64
      %get3A_845 = arith.index_cast %get3A_844 : i64 to index
      %get3A_846 = arith.constant 32 : index
      %get3A_847 = tpu.vector_load %arg8[%get3A_845, %get3A_846] {strides = array<i32>} : memref<16x64xi32, #tpu.memory_space<vmem>>, vector<16xi32>,
      %add3A_848 = arith.addi %add3A_843, %get3A_847 : vector<16xi32>
      %get3A_849 = arith.constant 8 : i64
      %get3A_850 = arith.index_cast %get3A_849 : i64 to index
      %get3A_851 = arith.constant 32 : index
      %get3A_852 = tpu.vector_load %arg8[%get3A_850, %get3A_851] {strides = array<i32>} : memref<16x64xi32, #tpu.memory_space<vmem>>, vector<16xi32>,
      %add3A_853 = arith.addi %add3A_848, %get3A_852 : vector<16xi32>
      %get3A_854 = arith.constant 9 : i64
      %get3A_855 = arith.index_cast %get3A_854 : i64 to index
      %get3A_856 = arith.constant 32 : index
      %get3A_857 = tpu.vector_load %arg8[%get3A_855, %get3A_856] {strides = array<i32>} : memref<16x64xi32, #tpu.memory_space<vmem>>, vector<16xi32>,
      %add3A_858 = arith.addi %add3A_853, %get3A_857 : vector<16xi32>
      %get3A_859 = arith.constant 10 : i64
      %get3A_860 = arith.index_cast %get3A_859 : i64 to index
      %get3A_861 = arith.constant 32 : index
      %get3A_862 = tpu.vector_load %arg8[%get3A_860, %get3A_861] {strides = array<i32>} : memref<16x64xi32, #tpu.memory_space<vmem>>, vector<16xi32>,
      %add3A_863 = arith.addi %add3A_858, %get3A_862 : vector<16xi32>
      %get3A_864 = arith.constant 11 : i64
      %get3A_865 = arith.index_cast %get3A_864 : i64 to index
      %get3A_866 = arith.constant 32 : index
      %get3A_867 = tpu.vector_load %arg8[%get3A_865, %get3A_866] {strides = array<i32>} : memref<16x64xi32, #tpu.memory_space<vmem>>, vector<16xi32>,
      %add3A_868 = arith.addi %add3A_863, %get3A_867 : vector<16xi32>
      %get3A_869 = arith.constant 12 : i64
      %get3A_870 = arith.index_cast %get3A_869 : i64 to index
      %get3A_871 = arith.constant 32 : index
      %get3A_872 = tpu.vector_load %arg8[%get3A_870, %get3A_871] {strides = array<i32>} : memref<16x64xi32, #tpu.memory_space<vmem>>, vector<16xi32>,
      %add3A_873 = arith.addi %add3A_868, %get3A_872 : vector<16xi32>
      %get3A_874 = arith.constant 13 : i64
      %get3A_875 = arith.index_cast %get3A_874 : i64 to index
      %get3A_876 = arith.constant 32 : index
      %get3A_877 = tpu.vector_load %arg8[%get3A_875, %get3A_876] {strides = array<i32>} : memref<16x64xi32, #tpu.memory_space<vmem>>, vector<16xi32>,
      %add3A_878 = arith.addi %add3A_873, %get3A_877 : vector<16xi32>
      %get3A_879 = arith.constant 14 : i64
      %get3A_880 = arith.index_cast %get3A_879 : i64 to index
      %get3A_881 = arith.constant 32 : index
      %get3A_882 = tpu.vector_load %arg8[%get3A_880, %get3A_881] {strides = array<i32>} : memref<16x64xi32, #tpu.memory_space<vmem>>, vector<16xi32>,
      %add3A_883 = arith.addi %add3A_878, %get3A_882 : vector<16xi32>
      %get3A_884 = arith.constant 15 : i64
      %get3A_885 = arith.index_cast %get3A_884 : i64 to index
      %get3A_886 = arith.constant 32 : index
      %get3A_887 = tpu.vector_load %arg8[%get3A_885, %get3A_886] {strides = array<i32>} : memref<16x64xi32, #tpu.memory_space<vmem>>, vector<16xi32>,
      %add3A_888 = arith.addi %add3A_883, %get3A_887 : vector<16xi32>
      %gt3A_889 = arith.constant 0 : i32
      %gt3A_890 = vector.broadcast %gt3A_889 : i32 to vector<16xi32>
      %gt3A_891 = arith.cmpi sgt, %add3A_888, %gt3A_890 : vector<16xi32>
      %add3A_892 = arith.constant 33 : i32
      %add3A_893 = vector.broadcast %add3A_892 : i32 to vector<16xi32>
      %add3A_894 = arith.addi %iota3A, %add3A_893 : vector<16xi32>
      %jit3A_895 = arith.constant 0 : i32
      %broadcast_in_dim3A_896 = vector.broadcast %jit3A_895 : i32 to vector<16xi32>
      %select_n3A_897 = arith.select %gt3A_891, %add3A_894, %broadcast_in_dim3A_896 : vector<16xi1>, vector<16xi32>
      %reduce_max3A_898 = arith.constant true
      %reduce_max3A_899 = vector.broadcast %reduce_max3A_898 : i1 to vector<16xi1>
      %reduce_max3A_900 = arith.constant -2147483648 : i32
      %reduce_max3A_901 = vector.broadcast %reduce_max3A_900 : i32 to vector<16xi32>
      %reduce_max3A_902 = arith.xori %select_n3A_897, %reduce_max3A_901 : vector<16xi32>
      %reduce_max3A_903 = tpu.scan <max>, %reduce_max3A_902 masked %reduce_max3A_899 : vector<16xi32>, vector<16xi1> -> vector<16xi32>
      %reduce_max3A_904 = arith.xori %reduce_max3A_903, %reduce_max3A_901 : vector<16xi32>
      %reduce_max3A_905 = vector.extract %reduce_max3A_904[15] : i32 from vector<16xi32>
      %max3A_906 = arith.maxsi %max3A_796, %reduce_max3A_905 : i32
      %convert_element_type3A_907 = arith.sitofp %add3A_888 : vector<16xi32> to vector<16xf32>
      %sub3A_908 = arith.constant 5.120000e+02 : f32
      %sub3A_909 = vector.broadcast %sub3A_908 : f32 to vector<16xf32>
      %sub3A_910 = arith.subf %convert_element_type3A_907, %sub3A_909 : vector<16xf32>
      %max3A_911 = arith.constant 0.000000e+00 : f32
      %max3A_912 = vector.broadcast %max3A_911 : f32 to vector<16xf32>
      %max3A_913 = arith.maximumf %sub3A_910, %max3A_912 : vector<16xf32>
      %mul3A_914 = arith.mulf %max3A_913, %max3A_913 : vector<16xf32>
      %reduce_sum3A_915 = arith.constant true
      %reduce_sum3A_916 = vector.broadcast %reduce_sum3A_915 : i1 to vector<16xi1>
      %reduce_sum3A_917 = tpu.scan <sum>, %mul3A_914 masked %reduce_sum3A_916 : vector<16xf32>, vector<16xi1> -> vector<16xf32>
      %reduce_sum3A_918 = vector.extract %reduce_sum3A_917[15] : f32 from vector<16xf32>
      %add3A_919 = arith.addf %add3A_809, %reduce_sum3A_918 : f32
      %get3A_920 = arith.constant 0 : i64
      %get3A_921 = arith.index_cast %get3A_920 : i64 to index
      %get3A_922 = arith.constant 48 : index
      %get3A_923 = tpu.vector_load %arg8[%get3A_921, %get3A_922] {strides = array<i32>} : memref<16x64xi32, #tpu.memory_space<vmem>>, vector<16xi32>,
      %get3A_924 = arith.constant 1 : i64
      %get3A_925 = arith.index_cast %get3A_924 : i64 to index
      %get3A_926 = arith.constant 48 : index
      %get3A_927 = tpu.vector_load %arg8[%get3A_925, %get3A_926] {strides = array<i32>} : memref<16x64xi32, #tpu.memory_space<vmem>>, vector<16xi32>,
      %add3A_928 = arith.addi %get3A_923, %get3A_927 : vector<16xi32>
      %get3A_929 = arith.constant 2 : i64
      %get3A_930 = arith.index_cast %get3A_929 : i64 to index
      %get3A_931 = arith.constant 48 : index
      %get3A_932 = tpu.vector_load %arg8[%get3A_930, %get3A_931] {strides = array<i32>} : memref<16x64xi32, #tpu.memory_space<vmem>>, vector<16xi32>,
      %add3A_933 = arith.addi %add3A_928, %get3A_932 : vector<16xi32>
      %get3A_934 = arith.constant 3 : i64
      %get3A_935 = arith.index_cast %get3A_934 : i64 to index
      %get3A_936 = arith.constant 48 : index
      %get3A_937 = tpu.vector_load %arg8[%get3A_935, %get3A_936] {strides = array<i32>} : memref<16x64xi32, #tpu.memory_space<vmem>>, vector<16xi32>,
      %add3A_938 = arith.addi %add3A_933, %get3A_937 : vector<16xi32>
      %get3A_939 = arith.constant 4 : i64
      %get3A_940 = arith.index_cast %get3A_939 : i64 to index
      %get3A_941 = arith.constant 48 : index
      %get3A_942 = tpu.vector_load %arg8[%get3A_940, %get3A_941] {strides = array<i32>} : memref<16x64xi32, #tpu.memory_space<vmem>>, vector<16xi32>,
      %add3A_943 = arith.addi %add3A_938, %get3A_942 : vector<16xi32>
      %get3A_944 = arith.constant 5 : i64
      %get3A_945 = arith.index_cast %get3A_944 : i64 to index
      %get3A_946 = arith.constant 48 : index
      %get3A_947 = tpu.vector_load %arg8[%get3A_945, %get3A_946] {strides = array<i32>} : memref<16x64xi32, #tpu.memory_space<vmem>>, vector<16xi32>,
      %add3A_948 = arith.addi %add3A_943, %get3A_947 : vector<16xi32>
      %get3A_949 = arith.constant 6 : i64
      %get3A_950 = arith.index_cast %get3A_949 : i64 to index
      %get3A_951 = arith.constant 48 : index
      %get3A_952 = tpu.vector_load %arg8[%get3A_950, %get3A_951] {strides = array<i32>} : memref<16x64xi32, #tpu.memory_space<vmem>>, vector<16xi32>,
      %add3A_953 = arith.addi %add3A_948, %get3A_952 : vector<16xi32>
      %get3A_954 = arith.constant 7 : i64
      %get3A_955 = arith.index_cast %get3A_954 : i64 to index
      %get3A_956 = arith.constant 48 : index
      %get3A_957 = tpu.vector_load %arg8[%get3A_955, %get3A_956] {strides = array<i32>} : memref<16x64xi32, #tpu.memory_space<vmem>>, vector<16xi32>,
      %add3A_958 = arith.addi %add3A_953, %get3A_957 : vector<16xi32>
      %get3A_959 = arith.constant 8 : i64
      %get3A_960 = arith.index_cast %get3A_959 : i64 to index
      %get3A_961 = arith.constant 48 : index
      %get3A_962 = tpu.vector_load %arg8[%get3A_960, %get3A_961] {strides = array<i32>} : memref<16x64xi32, #tpu.memory_space<vmem>>, vector<16xi32>,
      %add3A_963 = arith.addi %add3A_958, %get3A_962 : vector<16xi32>
      %get3A_964 = arith.constant 9 : i64
      %get3A_965 = arith.index_cast %get3A_964 : i64 to index
      %get3A_966 = arith.constant 48 : index
      %get3A_967 = tpu.vector_load %arg8[%get3A_965, %get3A_966] {strides = array<i32>} : memref<16x64xi32, #tpu.memory_space<vmem>>, vector<16xi32>,
      %add3A_968 = arith.addi %add3A_963, %get3A_967 : vector<16xi32>
      %get3A_969 = arith.constant 10 : i64
      %get3A_970 = arith.index_cast %get3A_969 : i64 to index
      %get3A_971 = arith.constant 48 : index
      %get3A_972 = tpu.vector_load %arg8[%get3A_970, %get3A_971] {strides = array<i32>} : memref<16x64xi32, #tpu.memory_space<vmem>>, vector<16xi32>,
      %add3A_973 = arith.addi %add3A_968, %get3A_972 : vector<16xi32>
      %get3A_974 = arith.constant 11 : i64
      %get3A_975 = arith.index_cast %get3A_974 : i64 to index
      %get3A_976 = arith.constant 48 : index
      %get3A_977 = tpu.vector_load %arg8[%get3A_975, %get3A_976] {strides = array<i32>} : memref<16x64xi32, #tpu.memory_space<vmem>>, vector<16xi32>,
      %add3A_978 = arith.addi %add3A_973, %get3A_977 : vector<16xi32>
      %get3A_979 = arith.constant 12 : i64
      %get3A_980 = arith.index_cast %get3A_979 : i64 to index
      %get3A_981 = arith.constant 48 : index
      %get3A_982 = tpu.vector_load %arg8[%get3A_980, %get3A_981] {strides = array<i32>} : memref<16x64xi32, #tpu.memory_space<vmem>>, vector<16xi32>,
      %add3A_983 = arith.addi %add3A_978, %get3A_982 : vector<16xi32>
      %get3A_984 = arith.constant 13 : i64
      %get3A_985 = arith.index_cast %get3A_984 : i64 to index
      %get3A_986 = arith.constant 48 : index
      %get3A_987 = tpu.vector_load %arg8[%get3A_985, %get3A_986] {strides = array<i32>} : memref<16x64xi32, #tpu.memory_space<vmem>>, vector<16xi32>,
      %add3A_988 = arith.addi %add3A_983, %get3A_987 : vector<16xi32>
      %get3A_989 = arith.constant 14 : i64
      %get3A_990 = arith.index_cast %get3A_989 : i64 to index
      %get3A_991 = arith.constant 48 : index
      %get3A_992 = tpu.vector_load %arg8[%get3A_990, %get3A_991] {strides = array<i32>} : memref<16x64xi32, #tpu.memory_space<vmem>>, vector<16xi32>,
      %add3A_993 = arith.addi %add3A_988, %get3A_992 : vector<16xi32>
      %get3A_994 = arith.constant 15 : i64
      %get3A_995 = arith.index_cast %get3A_994 : i64 to index
      %get3A_996 = arith.constant 48 : index
      %get3A_997 = tpu.vector_load %arg8[%get3A_995, %get3A_996] {strides = array<i32>} : memref<16x64xi32, #tpu.memory_space<vmem>>, vector<16xi32>,
      %add3A_998 = arith.addi %add3A_993, %get3A_997 : vector<16xi32>
      %gt3A_999 = arith.constant 0 : i32
      %gt3A_1000 = vector.broadcast %gt3A_999 : i32 to vector<16xi32>
      %gt3A_1001 = arith.cmpi sgt, %add3A_998, %gt3A_1000 : vector<16xi32>
      %add3A_1002 = arith.constant 49 : i32
      %add3A_1003 = vector.broadcast %add3A_1002 : i32 to vector<16xi32>
      %add3A_1004 = arith.addi %iota3A, %add3A_1003 : vector<16xi32>
      %jit3A_1005 = arith.constant 0 : i32
      %broadcast_in_dim3A_1006 = vector.broadcast %jit3A_1005 : i32 to vector<16xi32>
      %select_n3A_1007 = arith.select %gt3A_1001, %add3A_1004, %broadcast_in_dim3A_1006 : vector<16xi1>, vector<16xi32>
      %reduce_max3A_1008 = arith.constant true
      %reduce_max3A_1009 = vector.broadcast %reduce_max3A_1008 : i1 to vector<16xi1>
      %reduce_max3A_1010 = arith.constant -2147483648 : i32
      %reduce_max3A_1011 = vector.broadcast %reduce_max3A_1010 : i32 to vector<16xi32>
      %reduce_max3A_1012 = arith.xori %select_n3A_1007, %reduce_max3A_1011 : vector<16xi32>
      %reduce_max3A_1013 = tpu.scan <max>, %reduce_max3A_1012 masked %reduce_max3A_1009 : vector<16xi32>, vector<16xi1> -> vector<16xi32>
      %reduce_max3A_1014 = arith.xori %reduce_max3A_1013, %reduce_max3A_1011 : vector<16xi32>
      %reduce_max3A_1015 = vector.extract %reduce_max3A_1014[15] : i32 from vector<16xi32>
      %max3A_1016 = arith.maxsi %max3A_906, %reduce_max3A_1015 : i32
      %convert_element_type3A_1017 = arith.sitofp %add3A_998 : vector<16xi32> to vector<16xf32>
      %sub3A_1018 = arith.constant 5.120000e+02 : f32
      %sub3A_1019 = vector.broadcast %sub3A_1018 : f32 to vector<16xf32>
      %sub3A_1020 = arith.subf %convert_element_type3A_1017, %sub3A_1019 : vector<16xf32>
      %max3A_1021 = arith.constant 0.000000e+00 : f32
      %max3A_1022 = vector.broadcast %max3A_1021 : f32 to vector<16xf32>
      %max3A_1023 = arith.maximumf %sub3A_1020, %max3A_1022 : vector<16xf32>
      %mul3A_1024 = arith.mulf %max3A_1023, %max3A_1023 : vector<16xf32>
      %reduce_sum3A_1025 = arith.constant true
      %reduce_sum3A_1026 = vector.broadcast %reduce_sum3A_1025 : i1 to vector<16xi1>
      %reduce_sum3A_1027 = tpu.scan <sum>, %mul3A_1024 masked %reduce_sum3A_1026 : vector<16xf32>, vector<16xi1> -> vector<16xf32>
      %reduce_sum3A_1028 = vector.extract %reduce_sum3A_1027[15] : f32 from vector<16xf32>
      %add3A_1029 = arith.addf %add3A_919, %reduce_sum3A_1028 : f32
      %broadcast_in_dim3A_1030 = vector.broadcast %add3A_1029 : f32 to vector<16xf32>
      %broadcast_in_dim3A_1031 = vector.broadcast %max3A_1016 : i32 to vector<16xi32>
      %convert_element_type3A_1032 = arith.sitofp %broadcast_in_dim3A_1031 : vector<16xi32> to vector<16xf32>
      %div3A = arith.divf %broadcast_in_dim3A_1030, %convert_element_type3A_1032 : vector<16xf32>
      %swap3A_1033 = arith.constant 0 : index
      %swap3A_1034 = tpu.vector_load %arg9[%swap3A_1033] {strides = array<i32>} : memref<16xf32, #tpu.memory_space<vmem>>, vector<16xf32>,
      tpu.vector_store %arg9[%swap3A_1033], %div3A {strides = array<i32>} : memref<16xf32, #tpu.memory_space<vmem>>, vector<16xf32>,
      "tpu.region"() ({
        %run_scoped3A = tpu.sem_alloc : memref<!tpu.dma_semaphore, #tpu.memory_space<semaphore_mem>>
        tpu.enqueue_dma source(%arg9 : memref<16xf32, #tpu.memory_space<vmem>>) target(%arg3 : memref<16xf32, #tpu.memory_space<hbm>>) target_semaphore(%run_scoped3A : memref<!tpu.dma_semaphore, #tpu.memory_space<semaphore_mem>>)
        tpu.wait_dma2 semaphore(%run_scoped3A : memref<!tpu.dma_semaphore, #tpu.memory_space<semaphore_mem>>) src(%arg9 : memref<16xf32, #tpu.memory_space<vmem>>) dst(%arg3 : memref<16xf32, #tpu.memory_space<hbm>>)
        tpu.yield
      }) : () -> ()
      "tpu.trace_stop"() : () -> ()
    } else {
    }
    return
  }
}

</mosaic_0001>

<sc_bundles>
// kernel: kernel.3.cloned.1.call-start
scs
__scs_entry_jumppad:
0x0: {  	(pc) =	sbr.rel $0x88, $3  }
0x1: {  	(tag) =	ssettag $0x0;
	lr =	simm.s32 $0x1  }
0x2: {  	[smem:$0x3FA0] =	sst lr;
	_ =	strace $0xD0000000  }
0x3: {  	_ = 	snop  }
0x4: {  	_ = 	snop  }
0x5: {  	_ = 	snop  }
0x6: {  	_ = 	snop  }
0x7: {  	_ = 	snop  }
__scs_overlays_trampoline_lowered:
0x8: {  	[smem:$0x3FAF] =	sst s0  }
0x9: {  	[smem:$0x3FB0] =	sst s1  }
0xa: {  	[smem:$0x3FB1] =	sst s2  }
0xb: {  	[smem:$0x3FB2] =	sst s3  }
0xc: {  	[smem:$0x3FB3] =	sst s4  }
0xd: {  	[smem:$0x3FB4] =	sst s5  }
0xe: {  	[smem:$0x3FB5] =	sst s6  }
0xf: {  	[smem:$0x3FB6] =	sst s7  }
0x10: {  	[smem:$0x3FB7] =	sst s8  }
0x11: {  	[smem:$0x3FB8] =	sst s9;
	s0 =	simm.s32 @!p0 $0x0  }
0x12: {  	s1 =	sld [smem:$0x3F9E];
	s0 =	simm.s32 @p0 $0x1  }
0x13: {  	[smem:$0x3FB9] =	sst s0;
	s0 =	simm.s32 @!p1 $0x0  }
0x14: {  	s2 =	sld [smem:$0x3F9D];
	s0 =	simm.s32 @p1 $0x1  }
0x15: {  	[smem:$0x3FBA] =	sst s0;
	s0 =	simm.s32 @!p2 $0x0  }
0x16: {  	s3 =	sld [smem:$0x3FDB];
	s0 =	simm.s32 @p2 $0x1  }
0x17: {  	s4 =	simm.s32 $0x1BF5;
	[smem:$0x3FBC] =	sst s0  }
0x18: {  	s0 =	sld [smem:$0x3F9F];
	_ =	swait.ge [sflag:s4], $0x0  }
0x19: {  	s7 =	sld [smem:$0x3FA0]  }
0x1a: {  	s8 =	sadd.s32 $0xFFFFE003, lr  }
0x1b: {  	s9 =	sadd.s32 $0xFFFFFEF7, lr;
	s5 =	simm.s32 $0xFFFFFFFF;
	p2 =	slt.u32 s8, $0xFFFFF086  }
0x1c: {  	p1 =	slt.u32 s9, $0xF7A;
	s5 =	simm.s32 @!p2 $0x0  }
0x1d: {  	s5 =	simm.s32 @p1 $0x1;
	p0 =	seq.s32 s7, s2  }
0x1e: {  	s7 =	smul.u32 @!p0 $0xF7A, s2;
	p2 =	seq.s32 @!p0 s5, $0x0  }
0x1f: {  	s9 =	smul.u32 $0xF7A, s1;
	s8 =	simm.s32 @!p0 $0x1BF5;
	p2 =	por !p2, p0  }
0x20: {  	[sflag:s8] =	ssyncset.s32 @!p0 $0xFFFFF086;
	s6 =	sadd.s32 @!p0 s3, s7;
	s7 =	simm.s32 @!p0 $0x108  }
0x21: {  	s3 =	sadd.s32 s3, s9;
	s6 =	sadd.s32 @!p0 $0x88, s6;
	s7 =	simm.s32 @p2 $0x1082  }
0x22: {  	[simem:s7], [sflag:s8] =	dma.local @!p0 [hbm:s6], $0xF7A  }
0x23: {  	s9 =	sor.u32 $0xD0000000, s2;
	s6 =	simm.s32 $0x108;
	_ =	swait.ge @!p0 [sflag:s8], $0x0  }
0x24: {  	s3 =	sadd.s32 $0x88, s3;
	s6 =	simm.s32 @!p1 $0x1082;
	[sflag:s4] =	ssyncset.s32 $0xFFFFF086  }
0x25: {  	[simem:s6], [sflag:s4] =	dma.local [hbm:s3], $0xF7A  }
0x26: {  	[smem:$0x3FA0] =	sst s1;
	(tag) =	ssettag s2;
	_ =	strace s9  }
0x27: {  	s1 =	sld [smem:$0x3FB0]  }
0x28: {  	s2 =	sld [smem:$0x3FB1]  }
0x29: {  	s4 =	sld [smem:$0x3FB3]  }
0x2a: {  	p0 =	seq.s32 s5, $0x0;
	s5 =	sld [smem:$0x3FB4]  }
0x2b: {  	s6 =	sld [smem:$0x3FB5]  }
0x2c: {  	s7 =	sld [smem:$0x3FB6]  }
0x2d: {  	s3 =	simm.s32 $0x108;
	s8 =	sld [smem:$0x3FB7]  }
0x2e: {  	s3 =	simm.s32 @!p0 $0x1082;
	s9 =	sld [smem:$0x3FB8]  }
0x2f: {  	lr =	sadd.s32 s0, s3;
	s0 =	sld [smem:$0x3FAF]  }
0x30: {  	s3 =	sld [smem:$0x3FB2]  }
0x31: {  	[smem:$0x3FBB] =	sst s10  }
0x32: {  	s10 =	sld [smem:$0x3FB9];
	_ =	sdelay $0x3  }
0x33: {  	p0 =	seq.s32 s10, $0x1;
	s10 =	sld [smem:$0x3FBB];
	_ =	sdelay $0x3  }
0x34: {  	[smem:$0x3FBB] =	sst s10  }
0x35: {  	s10 =	sld [smem:$0x3FBA];
	_ =	sdelay $0x3  }
0x36: {  	p1 =	seq.s32 s10, $0x1;
	s10 =	sld [smem:$0x3FBB];
	_ =	sdelay $0x3  }
0x37: {  	[smem:$0x3FBB] =	sst s10  }
0x38: {  	s10 =	sld [smem:$0x3FBC]  }
0x39: {  	_ = 	snop;
	(pc) =	sbr.ind lr, $3  }
0x3a: {  	_ = 	snop  }
0x3b: {  	_ = 	snop  }
0x3c: {  	p2 =	seq.s32 s10, $0x1;
	s10 =	sld [smem:$0x3FBB]  }
0x3d: {  	_ =	shalt  }
0x3e: {  	_ =	shalt  }
0x3f: {  	_ =	shalt  }
0x40: {  	_ =	shalt  }
0x41: {  	_ =	shalt  }
0x42: {  	_ =	shalt  }
0x43: {  	_ =	shalt  }
0x44: {  	_ =	shalt  }
0x45: {  	_ =	shalt  }
0x46: {  	_ =	shalt  }
0x47: {  	_ =	shalt  }
0x48: {  	_ =	shalt  }
0x49: {  	_ =	shalt  }
0x4a: {  	_ =	shalt  }
0x4b: {  	_ =	shalt  }
0x4c: {  	_ =	shalt  }
0x4d: {  	_ =	shalt  }
0x4e: {  	_ =	shalt  }
0x4f: {  	_ =	shalt  }
0x50: {  	_ =	shalt  }
0x51: {  	_ =	shalt  }
0x52: {  	_ =	shalt  }
0x53: {  	_ =	shalt  }
0x54: {  	_ =	shalt  }
0x55: {  	_ =	shalt  }
0x56: {  	_ =	shalt  }
0x57: {  	_ =	shalt  }
0x58: {  	_ =	shalt  }
0x59: {  	_ =	shalt  }
0x5a: {  	_ =	shalt  }
0x5b: {  	_ =	shalt  }
0x5c: {  	_ =	shalt  }
0x5d: {  	_ =	shalt  }
0x5e: {  	_ =	shalt  }
0x5f: {  	_ =	shalt  }
0x60: {  	_ =	shalt  }
0x61: {  	_ =	shalt  }
0x62: {  	_ =	shalt  }
0x63: {  	_ =	shalt  }
0x64: {  	_ =	shalt  }
0x65: {  	_ =	shalt  }
0x66: {  	_ =	shalt  }
0x67: {  	_ =	shalt  }
0x68: {  	_ =	shalt  }
0x69: {  	_ =	shalt  }
0x6a: {  	_ =	shalt  }
0x6b: {  	_ =	shalt  }
0x6c: {  	_ =	shalt  }
0x6d: {  	_ =	shalt  }
0x6e: {  	_ =	shalt  }
0x6f: {  	_ =	shalt  }
0x70: {  	_ =	shalt  }
0x71: {  	_ =	shalt  }
0x72: {  	_ =	shalt  }
0x73: {  	_ =	shalt  }
0x74: {  	_ =	shalt  }
0x75: {  	_ =	shalt  }
0x76: {  	_ =	shalt  }
0x77: {  	_ =	shalt  }
0x78: {  	_ =	shalt  }
0x79: {  	_ =	shalt  }
0x7a: {  	_ =	shalt  }
0x7b: {  	_ =	shalt  }
0x7c: {  	_ =	shalt  }
0x7d: {  	_ =	shalt  }
0x7e: {  	_ =	shalt  }
0x7f: {  	_ =	shalt  }
0x80: {  	_ =	shalt  }
0x81: {  	_ =	shalt  }
0x82: {  	_ =	shalt  }
0x83: {  	_ =	shalt  }
0x84: {  	_ =	shalt  }
0x85: {  	_ =	shalt  }
0x86: {  	_ =	shalt  }
0x87: {  	_ =	shalt  }
.Lfunc_end0:
.L_simem_size_0:
called_computation_lowered:
.L_overlay_start_0:
0x88: {  	s0 =	sld [smem:$0x3FD9]  }
0x89: {  	s1 =	sld [smem:$0x3FFE];
	_ =	sdelay $0x3  }
0x8a: {  	s0 =	sadd.s32 s1, s0  }
0x8b: {  	[smem:$0x3FC7] =	sst s0  }
0x8c: {  	_ = 	snop  }
0x8d: {  	s0 =	sld [smem:$0x3FD0];
	(tm) =	ssettm $0x1  }
0x8e: {  	s16 =	sld [smem:$0x3FFB];
	_ =	sdelay $0x3  }
0x8f: {  	_ =	strace s16  }
0x90: {  	s1 =	sld [smem:$0x3FFC];
	_ =	sdelay $0x3  }
0x91: {  	_ =	strace s1  }
0x92: {  	s1 =	sld [smem:$0x3FFD];
	_ =	sdelay $0x3  }
0x93: {  	_ =	strace s1  }
0x94: {  	_ =	strace $0x8FFFFFFF  }
0x95: {  	s17 =	sld [smem:$0x3FDB];
	_ =	sdelay $0x1  }
0x96: {  	s2 =	simm.s32 $_scs_section_size  }
0x97: {  	s3 =	simm.s32 $_size__tile_overlayer_lowered;
	s4 =	simm.s32 $_tile_overlayer_lowered  }
0x98: {  	s20 =	simm.s32 $0x1BFF;
	s19 =	sshll.u32 s4, $0x1;
	s1 =	sadd.s32 s2, s17  }
0x99: {  	s5 =	simm.s32 $0x0;
	s18 =	sshll.u32 s3, $0x1;
	s3 =	sadd.s32 s19, s1  }
0x9a: {  	[timem:s5], [sflag:s20] =	dma.local [hbm:s3], s18  }
0x9b: {  	_ =	swait.ge [sflag:s20], s18  }
0x9c: {  	s2 =	ssub.s32 $0x0, s18;
	[sflag:s20] =	ssyncset.done $0x0  }
0x9d: {  	[sflag:s20] =	ssyncadd.s32 s2;
	_ =	sdelay $0x1  }
0x9e: {  	s21 =	simm.s32 $0x1B8B  }
0x9f: {  	_ =	swait.ge [sflag:s21], $0x1  }
0xa0: {  	[sflag:s21] =	ssyncset.done $0x0  }
0xa1: {  	s23 =	simm.s32 $0x1B8E;
	s22 =	sld [smem:$0x3FFE];
	[sflag:s21] =	ssyncadd.s32 $0xFFFFFFFF  }
0xa2: {  	s24 =	simm.s32 $execute0_lowered;
	[smem:$0x3FD2] =	sst s23  }
0xa3: {  	s3 =	sshll.u32 s24, $0x1;
	_ =	strace $0x80000046;
	[dreg:$0x1] =	wrdreg $0xFFFFFFFF  }
0xa4: {  	s25 =	simm.s32 $_size_execute0_lowered;
	s1 =	sadd.s32 s1, s3;
	[dreg:$0x0] =	wrdreg $0x0  }
0xa5: {  	s3 =	sshll.u32 s25, $0x1;
	[dreg:$0x2] =	wrdreg s1  }
0xa6: {  	[dreg:$0x3] =	wrdreg s3  }
0xa7: {  	[dreg:$0x4] =	wrdreg $0xC0  }
0xa8: {  	_ =	task [dreg:s5], $0x5FFFF  }
0xa9: {  	[dreg:$0x1] =	wrdreg $0xFFFFFFFF  }
0xaa: {  	[dreg:$0x0] =	wrdreg $0x60  }
0xab: {  	[dreg:$0x2] =	wrdreg s22  }
0xac: {  	[dreg:$0x3] =	wrdreg s0  }
0xad: {  	[dreg:$0x4] =	wrdreg $0x10800  }
0xae: {  	[dreg:$0x5] =	wrdreg $0x9  }
0xaf: {  	_ =	task.clear_ibuf [dreg:s5], $0x6FFFF;
	_ =	strace $0x90000046  }
0xb0: {  	s26 =	simm.s32 $0x9;
	_ =	strace $0x8000004F  }
0xb1: {  	_ =	swait.ge [sflag:s26], $0x1  }
0xb2: {  	[sflag:s26] =	ssyncadd.s32 $0xFFFFFFFF  }
0xb3: {  	_ =	strace $0x9000004F  }
0xb4: {  	_ =	sfence  }
0xb5: {  	s28 =	sld [smem:$0x0];
	_ =	sdelay $0x1  }
0xb6: {  	s29 =	srdreg.scid  }
0xb7: {  	s30 =	sshll.u32 s29, $0xD;
	s31 =	sshrl.u32 s29, $0x2  }
0xb8: {  	s2 =	sand.u32 $0x4000, s30;
	s1 =	sand.u32 $0x1, s29;
	s0 =	sadd.s32 s31, s28  }
0xb9: {  	s1 =	sor.u32 s2, s1;
	s0 =	sshll.u32 s0, $0x11  }
0xba: {  	s0 =	sor.u32 s0, s1  }
0xbb: {  	s0 =	sadd.s32 $0x8F2B, s0  }
0xbc: {  	[sflag:s0] =	ssyncadd.remote.s32 $0x1  }
0xbd: {  	_ =	sfence.sel $0xFFFF  }
0xbe: {  	[dreg:$0x0] =	wrdreg $0xFFFFFFFF;
	(pc) =	sbr.abs _section_cstart, $3  }
0xbf: {  	[dreg:$0x1] =	wrdreg $0xFFFFFFFF  }
0xc0: {  	_ =	task.clear_ibuf [dreg:s5], $0x2FFFF;
	_ =	strace $0x9FFFFFFF  }
0xc1: {  	(tm) =	ssettm $0x7FFFFFFF  }
tec
execute0_lowered:
.L_overlay_start_1:
0x0: {  	(tag) =	ssettag $0x1  }
0x1: {  	s4 =	rddreg [dreg:$0x0]  }
0x2: {  	s1 =	rddreg [dreg:$0x1];
	s3 =	stileid.u32  }
0x3: {  	s2 =	rddreg [dreg:$0x2];
	s5 =	simm.s32 $0x0;
	s6 =	sshll.u32 s3, $0x8  }
0x4: {  	[smem:$0x7FF] =	sst s5;
	s4 =	sadd.s32 s6, s4  }
0x5: {  	s0 =	rddreg [dreg:$0x3];
	_ =	strace $0x80000047;
	s4 =	sadd.s32 $0x400, s4  }
0x6: {  	v0 =	vimm.s32 $0x0;
	[tilespmem:s5], [sflag:$0x1] =	stream.linear.gather [hbm4b:s4+s5], $0x800, $0x38;
	[tilespmem:$0x1940] =	vst v63  }
0x7: {  	_ =	strace $0x80000048;
	[tilespmem:$0x800] =	vst v0  }
0x8: {  	[tilespmem:$0x810] =	vst v0  }
0x9: {  	[tilespmem:$0x820] =	vst v0  }
0xa: {  	[tilespmem:$0x830] =	vst v0  }
0xb: {  	[tilespmem:$0x880] =	vst v0  }
0xc: {  	[tilespmem:$0x890] =	vst v0  }
0xd: {  	[tilespmem:$0x8A0] =	vst v0  }
0xe: {  	[tilespmem:$0x8B0] =	vst v0  }
0xf: {  	[tilespmem:$0x900] =	vst v0  }
0x10: {  	[tilespmem:$0x910] =	vst v0  }
0x11: {  	[tilespmem:$0x920] =	vst v0  }
0x12: {  	[tilespmem:$0x930] =	vst v0  }
0x13: {  	[tilespmem:$0x980] =	vst v0  }
0x14: {  	[tilespmem:$0x990] =	vst v0  }
0x15: {  	[tilespmem:$0x9A0] =	vst v0  }
0x16: {  	[tilespmem:$0x9B0] =	vst v0  }
0x17: {  	[tilespmem:$0xA00] =	vst v0  }
0x18: {  	[tilespmem:$0xA10] =	vst v0  }
0x19: {  	[tilespmem:$0xA20] =	vst v0  }
0x1a: {  	[tilespmem:$0xA30] =	vst v0  }
0x1b: {  	[tilespmem:$0xA80] =	vst v0  }
0x1c: {  	[tilespmem:$0xA90] =	vst v0  }
0x1d: {  	[tilespmem:$0xAA0] =	vst v0  }
0x1e: {  	[tilespmem:$0xAB0] =	vst v0  }
0x1f: {  	[tilespmem:$0xB00] =	vst v0  }
0x20: {  	[tilespmem:$0xB10] =	vst v0  }
0x21: {  	[tilespmem:$0xB20] =	vst v0  }
0x22: {  	[tilespmem:$0xB30] =	vst v0  }
0x23: {  	[tilespmem:$0xB80] =	vst v0  }
0x24: {  	[tilespmem:$0xB90] =	vst v0  }
0x25: {  	[tilespmem:$0xBA0] =	vst v0  }
0x26: {  	[tilespmem:$0xBB0] =	vst v0  }
0x27: {  	[tilespmem:$0xC00] =	vst v0  }
0x28: {  	[tilespmem:$0xC10] =	vst v0  }
0x29: {  	[tilespmem:$0xC20] =	vst v0  }
0x2a: {  	[tilespmem:$0xC30] =	vst v0  }
0x2b: {  	[tilespmem:$0xC80] =	vst v0  }
0x2c: {  	[tilespmem:$0xC90] =	vst v0  }
0x2d: {  	[tilespmem:$0xCA0] =	vst v0  }
0x2e: {  	[tilespmem:$0xCB0] =	vst v0  }
0x2f: {  	[tilespmem:$0xD00] =	vst v0  }
0x30: {  	[tilespmem:$0xD10] =	vst v0  }
0x31: {  	[tilespmem:$0xD20] =	vst v0  }
0x32: {  	[tilespmem:$0xD30] =	vst v0  }
0x33: {  	[tilespmem:$0xD80] =	vst v0  }
0x34: {  	[tilespmem:$0xD90] =	vst v0  }
0x35: {  	[tilespmem:$0xDA0] =	vst v0  }
0x36: {  	[tilespmem:$0xDB0] =	vst v0  }
0x37: {  	[tilespmem:$0xE00] =	vst v0  }
0x38: {  	[tilespmem:$0xE10] =	vst v0  }
0x39: {  	[tilespmem:$0xE20] =	vst v0  }
0x3a: {  	[tilespmem:$0xE30] =	vst v0  }
0x3b: {  	[tilespmem:$0xE80] =	vst v0  }
0x3c: {  	[tilespmem:$0xE90] =	vst v0  }
0x3d: {  	[tilespmem:$0xEA0] =	vst v0  }
0x3e: {  	[tilespmem:$0xEB0] =	vst v0  }
0x3f: {  	[tilespmem:$0xF00] =	vst v0  }
0x40: {  	[tilespmem:$0xF10] =	vst v0  }
0x41: {  	[tilespmem:$0xF20] =	vst v0  }
0x42: {  	[tilespmem:$0xF30] =	vst v0  }
0x43: {  	[tilespmem:$0xF80] =	vst v0  }
0x44: {  	[tilespmem:$0xF90] =	vst v0  }
0x45: {  	[tilespmem:$0xFA0] =	vst v0  }
0x46: {  	[tilespmem:$0xFB0] =	vst v0  }
0x47: {  	_ =	strace $0x90000048  }
0x48: {  	s31 =	simm.s32 $0x1;
	_ =	strace $0x80000049  }
0x49: {  	_ =	swait.ge [sflag:s31], $0x800  }
0x4a: {  	[sflag:s31] =	ssyncset.done $0x0  }
0x4b: {  	[sflag:s31] =	ssyncadd.s32 $0xFFFFF800  }
0x4c: {  	s6 =	simm.s32 $0x0;
	v0 =	vlaneseq.u32;
	_ =	strace $0x90000049  }
0x4d: {  	v1 =	vimm.s32 $0x1;
	s4 =	simm.s32 $0x800;
	s5 =	simm.s32 $0x40;
	v0 =	vmul.u32 $0x80, v0;
	_ =	strace $0x8000004A  }
.LBB2_1:
0x4e: {  	p0 =	sne.s32 s5, $0x1FC0;
	v2 =	vld [tilespmem:s6+$0x0];
	_ =	sdelay $0x4  }
0x4f: {  	v2 =	vadd.s32 v0, v2  }
.Ltmp0:
0x50: {  	(pc) =	sbr.rel @p0 .LBB2_1-.Ltmp0, $2  }
0x51: {  	_ =	sdelay $0x2  }
0x52: {  	s6 =	sshra.s32 s5, $0x2;
	s5 =	sadd.s32 $0x40, s5;
	[tilespmem:v2+s4+$0x0] =	vst.idx.add.s32.msk $0xffff, v1  }
0x53: {  	v2 =	vld [tilespmem:s6+$0x0];
	_ =	sdelay $0x4  }
0x54: {  	v0 =	vadd.s32 v0, v2;
	_ =	sdelay $0x4  }
0x55: {  	[tilespmem:v0+s4+$0x0] =	vst.idx.add.s32.msk $0xffff, v1  }
0x56: {  	_ =	strace $0x9000004A  }
0x57: {  	_ =	strace $0x8000004B  }
0x58: {  	v52 =	vld [tilespmem:$0x800]  }
0x59: {  	v53 =	vld [tilespmem:$0x880]  }
0x5a: {  	v54 =	vld [tilespmem:$0x900]  }
0x5b: {  	v3 =	vld [tilespmem:$0x980]  }
0x5c: {  	v4 =	vld [tilespmem:$0xA00]  }
0x5d: {  	v5 =	vld [tilespmem:$0xA80]  }
0x5e: {  	v6 =	vld [tilespmem:$0xB00]  }
0x5f: {  	v7 =	vld [tilespmem:$0xB80]  }
0x60: {  	v8 =	vld [tilespmem:$0xC00]  }
0x61: {  	v9 =	vld [tilespmem:$0xC80]  }
0x62: {  	v10 =	vld [tilespmem:$0xD00]  }
0x63: {  	v11 =	vld [tilespmem:$0xD80]  }
0x64: {  	v12 =	vld [tilespmem:$0xE00]  }
0x65: {  	v13 =	vld [tilespmem:$0xE80]  }
0x66: {  	v14 =	vld [tilespmem:$0xF00]  }
0x67: {  	v15 =	vld [tilespmem:$0xF80]  }
0x68: {  	v16 =	vld [tilespmem:$0x810]  }
0x69: {  	v17 =	vld [tilespmem:$0x890]  }
0x6a: {  	v18 =	vld [tilespmem:$0x910]  }
0x6b: {  	v19 =	vld [tilespmem:$0x990]  }
0x6c: {  	v20 =	vld [tilespmem:$0xA10]  }
0x6d: {  	v21 =	vld [tilespmem:$0xA90]  }
0x6e: {  	v22 =	vld [tilespmem:$0xB10]  }
0x6f: {  	v23 =	vld [tilespmem:$0xB90]  }
0x70: {  	v24 =	vld [tilespmem:$0xC10]  }
0x71: {  	v25 =	vld [tilespmem:$0xC90]  }
0x72: {  	v26 =	vld [tilespmem:$0xD10]  }
0x73: {  	v27 =	vld [tilespmem:$0xD90]  }
0x74: {  	v28 =	vld [tilespmem:$0xE10]  }
0x75: {  	v29 =	vld [tilespmem:$0xE90]  }
0x76: {  	v30 =	vld [tilespmem:$0xF10]  }
0x77: {  	v31 =	vld [tilespmem:$0xF90]  }
0x78: {  	v32 =	vld [tilespmem:$0x820]  }
0x79: {  	v33 =	vld [tilespmem:$0x8A0]  }
0x7a: {  	v34 =	vld [tilespmem:$0x920]  }
0x7b: {  	v35 =	vld [tilespmem:$0x9A0]  }
0x7c: {  	v36 =	vld [tilespmem:$0xA20]  }
0x7d: {  	v37 =	vld [tilespmem:$0xAA0]  }
0x7e: {  	v38 =	vld [tilespmem:$0xB20]  }
0x7f: {  	v55 =	vld [tilespmem:$0xBA0]  }
0x80: {  	v56 =	vld [tilespmem:$0xC20];
	v0 =	vadd.s32 v52, v53  }
0x81: {  	v57 =	vld [tilespmem:$0xCA0];
	v0 =	vadd.s32 v54, v0  }
0x82: {  	v58 =	vld [tilespmem:$0xD20];
	v0 =	vadd.s32 v3, v0  }
0x83: {  	v59 =	vld [tilespmem:$0xDA0];
	v0 =	vadd.s32 v4, v0  }
0x84: {  	v60 =	vld [tilespmem:$0xE20];
	v0 =	vadd.s32 v5, v0  }
0x85: {  	v61 =	vld [tilespmem:$0xEA0];
	v0 =	vadd.s32 v6, v0  }
0x86: {  	v62 =	vld [tilespmem:$0xF20];
	v0 =	vadd.s32 v7, v0  }
0x87: {  	v39 =	vld [tilespmem:$0x830];
	v0 =	vadd.s32 v8, v0  }
0x88: {  	v40 =	vld [tilespmem:$0x8B0];
	v0 =	vadd.s32 v9, v0  }
0x89: {  	v63 =	vld [tilespmem:$0xFA0];
	v0 =	vadd.s32 v10, v0  }
0x8a: {  	v41 =	vld [tilespmem:$0x930];
	v0 =	vadd.s32 v11, v0  }
0x8b: {  	v42 =	vld [tilespmem:$0x9B0];
	v0 =	vadd.s32 v12, v0  }
0x8c: {  	v44 =	vld [tilespmem:$0xA30];
	v43 =	vadd.s32 v16, v17;
	v45 =	vadd.s32 v32, v33;
	v0 =	vadd.s32 v13, v0  }
0x8d: {  	v46 =	vld [tilespmem:$0xAB0];
	v10 =	vadd.s32 v39, v40;
	v0 =	vadd.s32 v14, v0;
	v14 =	vadd.s32 v18, v43  }
0x8e: {  	v47 =	vld [tilespmem:$0xB30];
	v0 =	vadd.s32 v15, v0;
	v14 =	vadd.s32 v19, v14;
	v15 =	vadd.s32 v34, v45  }
0x8f: {  	v48 =	vld [tilespmem:$0xBB0];
	v10 =	vadd.s32 v41, v10;
	v14 =	vadd.s32 v20, v14;
	v15 =	vadd.s32 v35, v15  }
0x90: {  	v49 =	vld [tilespmem:$0xC30];
	v10 =	vadd.s32 v42, v10;
	v14 =	vadd.s32 v21, v14;
	v15 =	vadd.s32 v36, v15  }
0x91: {  	v50 =	vld [tilespmem:$0xCB0];
	v10 =	vadd.s32 v44, v10;
	v14 =	vadd.s32 v22, v14;
	v15 =	vadd.s32 v37, v15  }
0x92: {  	v51 =	vld [tilespmem:$0xD30];
	v10 =	vadd.s32 v46, v10;
	v14 =	vadd.s32 v23, v14;
	v15 =	vadd.s32 v38, v15  }
0x93: {  	v52 =	vld [tilespmem:$0xDB0];
	v10 =	vadd.s32 v47, v10;
	v14 =	vadd.s32 v24, v14;
	v1 =	vadd.s32 v55, v15  }
0x94: {  	v54 =	vld [tilespmem:$0xE30];
	v53 =	vadd.s32 v48, v10;
	v14 =	vadd.s32 v25, v14;
	v1 =	vadd.s32 v56, v1  }
0x95: {  	v2 =	vadd.s32 v49, v53;
	v56 =	vld [tilespmem:$0xEB0];
	v55 =	vadd.s32 v26, v14;
	v1 =	vadd.s32 v57, v1  }
0x96: {  	v2 =	vadd.s32 v50, v2;
	v57 =	vld [tilespmem:$0xF30];
	v12 =	vadd.s32 v27, v55;
	v1 =	vadd.s32 v58, v1  }
0x97: {  	v2 =	vadd.s32 v51, v2;
	v58 =	vld [tilespmem:$0xFB0];
	v12 =	vadd.s32 v28, v12;
	v1 =	vadd.s32 v59, v1  }
0x98: {  	v2 =	vadd.s32 v52, v2;
	v12 =	vadd.s32 v29, v12;
	v1 =	vadd.s32 v60, v1  }
0x99: {  	v2 =	vadd.s32 v54, v2;
	v59 =	vadd.s32 v30, v12;
	v1 =	vadd.s32 v61, v1  }
0x9a: {  	[tilespmem:$0x1000] =	vst v0;
	v2 =	vadd.s32 v56, v2;
	v60 =	vadd.s32 v31, v59;
	v1 =	vadd.s32 v62, v1  }
0x9b: {  	v62 =	vadd.s32 v57, v2;
	[tilespmem:$0x1010] =	vst v60;
	v61 =	vadd.s32 v63, v1  }
0x9c: {  	v63 =	vadd.s32 v58, v62;
	[tilespmem:$0x1020] =	vst v61  }
0x9d: {  	[tilespmem:$0x1030] =	vst v63  }
0x9e: {  	s31 =	sshll.u32 s3, $0x7;
	_ =	strace $0x9000004B  }
0x9f: {  	s5 =	simm.s32 $0x1000;
	s4 =	sadd.s32 s31, s2;
	_ =	strace $0x8000004C  }
0xa0: {  	[spmem:s4] =	stream.linear.scatter [tilespmem:s5], [sflag:$0x2], $0x80, $0x200038;
	[tilespmem:$0x1940] =	vst v63  }
0xa1: {  	s4 =	simm.s32 $0x2  }
0xa2: {  	_ =	swait.ge [sflag:s4], $0x80  }
0xa3: {  	[sflag:s4] =	ssyncset.done $0x0  }
0xa4: {  	[sflag:s4] =	ssyncadd.s32 $0xFFFFFF80  }
0xa5: {  	_ =	strace $0x9000004C  }
0xa6: {  	_ =	strace $0x8000004D  }
0xa7: {  	[bflag:$0x0] =	sbarrier.arrive $0xFFFF  }
0xa8: {  	p0 =	sne.s32 s3, $0x0;
	_ =	strace $0x9000004D  }
0xa9: {  	_ =	sfence.sel @p0 $0x180000  }
0xaa: {  	[bflag:$0x0] =	sbarrier.arrive @p0 $0xFFFF  }
0xab: {  	_ =	strace @p0 $0x90000047  }
0xac: {  	[bflag:$0x2] =	sbarrier.arrive @p0 $0xFFFF  }
0xad: {  	_ =	shalt @p0  }
.LBB2_3:
0xae: {  	_ =	strace $0x8000004E;
	s3 =	simm.s32 $0x10C0  }
0xaf: {  	[tilespmem:s3], [sflag:$0x2] =	stream.linear.gather [spmem:s2], $0x800, $0x200038;
	[tilespmem:$0x1940] =	vst v63  }
0xb0: {  	_ =	swait.ge [sflag:s4], $0x800  }
0xb1: {  	[sflag:s4] =	ssyncset.done $0x0  }
0xb2: {  	[sflag:s4] =	ssyncadd.s32 $0xFFFFF800  }
0xb3: {  	v0 =	vld [tilespmem:$0x10C0]  }
0xb4: {  	v1 =	vld [tilespmem:$0x1140]  }
0xb5: {  	v2 =	vld [tilespmem:$0x11C0]  }
0xb6: {  	v3 =	vld [tilespmem:$0x1240]  }
0xb7: {  	v4 =	vld [tilespmem:$0x12C0]  }
0xb8: {  	v5 =	vld [tilespmem:$0x1340]  }
0xb9: {  	v6 =	vld [tilespmem:$0x13C0]  }
0xba: {  	v7 =	vld [tilespmem:$0x1440]  }
0xbb: {  	v8 =	vld [tilespmem:$0x14C0]  }
0xbc: {  	v9 =	vld [tilespmem:$0x1540]  }
0xbd: {  	v10 =	vld [tilespmem:$0x15C0]  }
0xbe: {  	v11 =	vld [tilespmem:$0x1640]  }
0xbf: {  	v12 =	vld [tilespmem:$0x16C0]  }
0xc0: {  	v13 =	vld [tilespmem:$0x1740]  }
0xc1: {  	v14 =	vld [tilespmem:$0x17C0]  }
0xc2: {  	v15 =	vld [tilespmem:$0x1840]  }
0xc3: {  	v16 =	vld [tilespmem:$0x10D0]  }
0xc4: {  	v17 =	vld [tilespmem:$0x1150]  }
0xc5: {  	v18 =	vld [tilespmem:$0x11D0]  }
0xc6: {  	v19 =	vld [tilespmem:$0x1250]  }
0xc7: {  	v20 =	vld [tilespmem:$0x12D0]  }
0xc8: {  	v21 =	vld [tilespmem:$0x1350]  }
0xc9: {  	v22 =	vld [tilespmem:$0x13D0]  }
0xca: {  	v23 =	vld [tilespmem:$0x1450]  }
0xcb: {  	v24 =	vld [tilespmem:$0x14D0]  }
0xcc: {  	v25 =	vld [tilespmem:$0x1550]  }
0xcd: {  	v26 =	vld [tilespmem:$0x15D0]  }
0xce: {  	v27 =	vld [tilespmem:$0x1650]  }
0xcf: {  	v28 =	vld [tilespmem:$0x16D0]  }
0xd0: {  	v29 =	vld [tilespmem:$0x1750]  }
0xd1: {  	v30 =	vld [tilespmem:$0x17D0]  }
0xd2: {  	v31 =	vld [tilespmem:$0x1850]  }
0xd3: {  	v32 =	vld [tilespmem:$0x10E0]  }
0xd4: {  	v33 =	vld [tilespmem:$0x1160]  }
0xd5: {  	v34 =	vld [tilespmem:$0x11E0]  }
0xd6: {  	v35 =	vld [tilespmem:$0x1260]  }
0xd7: {  	v36 =	vld [tilespmem:$0x12E0]  }
0xd8: {  	v37 =	vld [tilespmem:$0x1360]  }
0xd9: {  	v38 =	vld [tilespmem:$0x13E0]  }
0xda: {  	v58 =	vld [tilespmem:$0x1460];
	v0 =	vadd.s32 v0, v1  }
0xdb: {  	v60 =	vld [tilespmem:$0x14E0];
	v59 =	vadd.s32 v16, v17;
	v0 =	vadd.s32 v2, v0  }
0xdc: {  	v61 =	vld [tilespmem:$0x1560];
	v2 =	vadd.s32 v18, v59;
	v0 =	vadd.s32 v3, v0  }
0xdd: {  	v62 =	vld [tilespmem:$0x15E0];
	v2 =	vadd.s32 v19, v2;
	v0 =	vadd.s32 v4, v0  }
0xde: {  	v63 =	vld [tilespmem:$0x1660];
	v2 =	vadd.s32 v20, v2;
	v0 =	vadd.s32 v5, v0  }
0xdf: {  	v20 =	vadd.s32 v32, v33;
	v32 =	vld [tilespmem:$0x12F0];
	v2 =	vadd.s32 v21, v2;
	v0 =	vadd.s32 v6, v0  }
0xe0: {  	v33 =	vld [tilespmem:$0x1370];
	v2 =	vadd.s32 v22, v2;
	v6 =	vadd.s32 v34, v20;
	v0 =	vadd.s32 v7, v0  }
0xe1: {  	v21 =	vld [tilespmem:$0x16E0];
	v2 =	vadd.s32 v23, v2;
	v6 =	vadd.s32 v35, v6;
	v0 =	vadd.s32 v8, v0  }
0xe2: {  	v22 =	vld [tilespmem:$0x1760];
	v2 =	vadd.s32 v24, v2;
	v6 =	vadd.s32 v36, v6;
	v0 =	vadd.s32 v9, v0  }
0xe3: {  	v2 =	vadd.s32 v25, v2;
	v6 =	vadd.s32 v37, v6;
	v25 =	vld [tilespmem:$0x10F0];
	v0 =	vadd.s32 v10, v0  }
0xe4: {  	v2 =	vadd.s32 v26, v2;
	v6 =	vadd.s32 v38, v6;
	v26 =	vld [tilespmem:$0x1170];
	v0 =	vadd.s32 v11, v0  }
0xe5: {  	v2 =	vadd.s32 v27, v2;
	v1 =	vadd.s32 v58, v6;
	v27 =	vld [tilespmem:$0x11F0];
	v0 =	vadd.s32 v12, v0  }
0xe6: {  	v2 =	vadd.s32 v28, v2;
	v1 =	vadd.s32 v60, v1;
	v28 =	vld [tilespmem:$0x1270];
	v0 =	vadd.s32 v13, v0  }
0xe7: {  	v23 =	vld [tilespmem:$0x17E0];
	v2 =	vadd.s32 v29, v2;
	v1 =	vadd.s32 v61, v1;
	v0 =	vadd.s32 v14, v0  }
0xe8: {  	v24 =	vld [tilespmem:$0x1860];
	v2 =	vadd.s32 v30, v2;
	v1 =	vadd.s32 v62, v1;
	v0 =	vadd.s32 v15, v0  }
0xe9: {  	v35 =	vld [tilespmem:$0x13F0];
	v1 =	vadd.s32 v63, v1;
	v10 =	vadd.s32 v25, v26;
	v2 =	vadd.s32 v31, v2  }
0xea: {  	v36 =	vld [tilespmem:$0x1470];
	v34 =	vcvt.s32.f32 v0;
	v1 =	vadd.s32 v21, v1;
	v6 =	vadd.s32 v27, v10  }
0xeb: {  	v37 =	vld [tilespmem:$0x14F0];
	v38 =	vcvt.s32.f32 v2;
	v1 =	vadd.s32 v22, v1;
	v6 =	vadd.s32 v28, v6  }
0xec: {  	v39 =	vld [tilespmem:$0x1570];
	v5 =	vadd.f32 $-5.120000000e+02, v34;
	v1 =	vadd.s32 v23, v1;
	v3 =	vadd.s32 v32, v6  }
0xed: {  	v40 =	vld [tilespmem:$0x15F0];
	v8 =	vadd.f32 $-5.120000000e+02, v38;
	v1 =	vadd.s32 v24, v1;
	v3 =	vadd.s32 v33, v3  }
0xee: {  	v41 =	vld [tilespmem:$0x1670];
	v5 =	vmax.f32 v5, $0.0e+00;
	v9 =	vcvt.s32.f32 v1;
	v3 =	vadd.s32 v35, v3  }
0xef: {  	v45 =	vlaneseq.u32;
	v43 =	vld [tilespmem:$0x16F0];
	v42 =	vmul.f32 v5, v5;
	v3 =	vadd.s32 v36, v3  }
0xf0: {  	v44 =	vld [tilespmem:$0x1770];
	v8 =	vmax.f32 v8, $0.0e+00;
	v9 =	vadd.f32 $-5.120000000e+02, v9;
	v3 =	vadd.s32 v37, v3  }
0xf1: {  	v48 =	vadd.s32 $0x80000001, v45;
	v47 =	vld [tilespmem:$0x17F0];
	v46 =	vmul.f32 v8, v8;
	(xrf2) =	vadd.scan.msk.f32 $0xffff, v42;
	v3 =	vadd.s32 v39, v3  }
0xf2: {  	v49 =	vld [tilespmem:$0x1870];
	vm0 =	vgt.s32 v0, $0x0;
	v9 =	vmax.f32 v9, $0.0e+00;
	v3 =	vadd.s32 v40, v3  }
0xf3: {  	v51 =	vnsel vm0, $0x80000000, v48;
	(xrf2) =	vadd.scan.msk.f32 $0xffff, v46;
	v50 =	vadd.s32 v41, v3;
	v52 =	vmul.f32 v9, v9  }
0xf4: {  	v53 =	vadd.s32 $0x80000011, v45;
	vm13 =	vgt.s32 v2, $0x0;
	(xrf0) =	vmax.scan.msk.u32 $0xffff, v51;
	v0 =	vadd.s32 v43, v50  }
0xf5: {  	v2 =	vnsel vm13, $0x80000000, v53;
	(xrf2) =	vadd.scan.msk.f32 $0xffff, v52;
	v0 =	vadd.s32 v44, v0  }
0xf6: {  	v54 =	vadd.s32 $0x80000021, v45;
	(xrf0) =	vmax.scan.msk.u32 $0xffff, v2;
	vm14 =	vgt.s32 v1, $0x0;
	v0 =	vadd.s32 v47, v0  }
0xf7: {  	v1 =	vnsel vm14, $0x80000000, v54;
	v0 =	vadd.s32 v49, v0  }
0xf8: {  	v55 =	vadd.s32 $0x80000031, v45;
	(xrf0) =	vmax.scan.msk.u32 $0xffff, v1;
	vm15 =	vgt.s32 v0, $0x0  }
0xf9: {  	v1 =	vnsel vm15, $0x80000000, v55  }
0xfa: {  	v56, _, _ =	vpop (xrf0);
	(xrf0) =	vmax.scan.msk.u32 $0xffff, v1  }
0xfb: {  	(v2sf) =	vpush v56, $0xF;
	v57, _, _ =	vpop (xrf2)  }
0xfc: {  	v58, _, _ =	vpop (xrf0);
	(v2sf) =	vpush v57, $0xF  }
0xfd: {  	v59, _, _ =	vpop (xrf2);
	(v2sf) =	vpush v58, $0xF  }
0xfe: {  	v60, _, _ =	vpop (xrf0);
	(v2sf) =	vpush v59, $0xF  }
0xff: {  	(v2sf) =	vpush v60, $0xF;
	v61, _, _ =	vpop (xrf2)  }
0x100: {  	(v2sf) =	vpush v61, $0xF;
	v62, _, _ =	vpop (xrf0)  }
0x101: {  	v0 =	vcvt.s32.f32 v0;
	(v2sf) =	vpush v62, $0xF;
	_ =	sdelay $0x1  }
0x102: {  	v0 =	vadd.f32 $-5.120000000e+02, v0;
	_ =	sdelay $0x1  }
0x103: {  	v0 =	vmax.f32 v0, $0.0e+00  }
0x104: {  	v0 =	vmul.f32 v0, v0;
	_ =	sdelay $0x1  }
0x105: {  	(xrf2) =	vadd.scan.msk.f32 $0xffff, v0;
	_ =	sdelay $0x1  }
0x106: {  	s24 =	spop (v2sf)  }
0x107: {  	s25 =	spop (v2sf)  }
0x108: {  	s5 =	spop (v2sf)  }
0x109: {  	s2 =	sxor.u32 $0x80000000, s24;
	s6 =	spop (v2sf);
	s5 =	sxor.u32 $0x80000000, s5  }
0x10a: {  	s7 =	spop (v2sf);
	p0 =	sgt.s32 s2, s5  }
0x10b: {  	s8 =	spop (v2sf);
	s5 =	smov.u32 @p0 s2;
	s2 =	sxor.u32 $0x80000000, s7  }
0x10c: {  	p0 =	sgt.s32 s5, s2;
	s26 =	spop (v2sf)  }
0x10d: {  	s2 =	smov.u32 @p0 s5;
	s5 =	sxor.u32 $0x80000000, s26  }
0x10e: {  	v0, _, _ =	vpop (xrf2);
	p0 =	sgt.s32 s2, s5  }
0x10f: {  	(v2sf) =	vpush v0, $0xF;
	s5 =	smov.u32 @p0 s2  }
0x110: {  	p0 =	sgt.s32 s5, $0x0  }
0x111: {  	s5 =	simm.s32 @!p0 $0x0  }
0x112: {  	v63 =	vmov s5  }
0x113: {  	v0 =	vcvt.s32.f32 v63;
	_ =	sdelay $0x1  }
0x114: {  	v0 =	vbroadcast v0, $0x0;
	_ =	sdelay $0x1  }
0x115: {  	(erf) = vrcp.f32 v0;
	_ =	sdelay $0x1  }
0x116: {  	s28 =	sadd.f32 $0.0e+00, s25;
	_ =	sdelay $0x1  }
0x117: {  	s2 =	sadd.f32 s6, s28;
	_ =	sdelay $0x1  }
0x118: {  	s2 =	sadd.f32 s8, s2  }
0x119: {  	s29 =	spop (v2sf)  }
0x11a: {  	s2 =	sadd.f32 s29, s2  }
0x11b: {  	v0 =	vpop (erf)  }
0x11c: {  	v0 =	vmul.f32 s2, v0;
	_ =	sdelay $0x1  }
0x11d: {  	s30 =	simm.s32 $0x0;
	s31 =	simm.s32 $0x18C0;
	[tilespmem:$0x18C0] =	vst v0  }
0x11e: {  	[hbm4b:s1+s30] =	stream.linear.scatter [tilespmem:s31], [sflag:$0x2], $0x80, $0x200038;
	[tilespmem:$0x1940] =	vst v63  }
0x11f: {  	_ =	swait.ge [sflag:s4], $0x80  }
0x120: {  	[sflag:s4] =	ssyncset.done $0x0  }
0x121: {  	[sflag:s4] =	ssyncadd.s32 $0xFFFFFF80  }
0x122: {  	_ =	strace $0x9000004E  }
0x123: {  	_ =	sfence.sel $0x180000  }
0x124: {  	[bflag:$0x0] =	sbarrier.arrive $0xFFFF  }
0x125: {  	_ =	strace $0x90000047  }
0x126: {  	s0 =	sadd.s32 $0x100000, s0;
	[bflag:$0x2] =	sbarrier.arrive $0xFFFF  }
0x127: {  	[sflag:s0] =	ssyncadd.tile.s32 $0x1;
	_ =	shalt  }
.Lfunc_end2:
_tile_overlayer_lowered:
.L_overlay_start_2:
0x128: {  	(tag) =	ssettag $0x2  }
0x129: {  	s0 =	rddreg [dreg:$0x0];
	s2 =	stileid.u32  }
0x12a: {  	s1 =	rddreg [dreg:$0x1];
	p0 =	sne.s32 s2, $0x0  }
0x12b: {  	s3 =	rddreg [dreg:$0x2];
	[bflag:$0x3] =	sbarrier.arrive $0xFFFF;
	s2 =	simm.s32 @!p0 $0x1C02  }
0x12c: {  	[timem:s3], [sflag:s2] =	dma.local @!p0 [hbm:s0], s1  }
0x12d: {  	s0 =	simm.s32 @!p0 $0x2  }
0x12e: {  	_ =	swait.ge @!p0 [sflag:s0], s1  }
0x12f: {  	s1 =	ssub.s32 @!p0 $0x0, s1;
	[sflag:s0] =	ssyncset.done @!p0 $0x0  }
0x130: {  	[sflag:s0] =	ssyncadd.s32 @!p0 s1  }
0x131: {  	[bflag:$0x3] =	sbarrier.arrive $0xFFFF  }
0x132: {  	_ =	shalt  }

</sc_bundles>
